<compile_context>
chip_gen: v7x
topology: tpu7x:2x2x1
jax: 0.10.2.dev20260603
libtpu: 0.0.44.dev20260713+nightly
codegen_flags: <defaults>
</compile_context>

<pallas_src>
import functools

import jax
import jax.numpy as jnp
from jax import lax
from jax.experimental import pallas as pl
from jax.experimental.pallas import tpu as pltpu
from jax.experimental.pallas import tpu_sc as plsc

E = 8
D = 1024
N = 4096
BLK = 256
G = N // BLK + E
P = G * BLK
DN = 256
NC, NS = 2, 16
NW = NC * NS


def _gather_rows(table, idx, chunk):
    M = idx.shape[0]
    C = table.shape[1]
    mpw = M // NW
    nch = mpw // chunk
    mesh = plsc.VectorSubcoreMesh(core_axis_name="c", subcore_axis_name="s")

    @functools.partial(
        pl.kernel,
        mesh=mesh,
        out_type=jax.ShapeDtypeStruct((M, C), table.dtype),
        scratch_types=[
            pltpu.VMEM((mpw,), jnp.int32),
            pltpu.VMEM((chunk, C), table.dtype),
            pltpu.VMEM((chunk, C), table.dtype),
            pltpu.SemaphoreType.DMA,
            pltpu.SemaphoreType.DMA,
        ],
    )
    def k(table_hbm, idx_hbm, out_hbm, idx_v, buf0, buf1, sem0, sem1):
        wid = lax.axis_index("s") * NC + lax.axis_index("c")
        base = wid * mpw
        pltpu.sync_copy(idx_hbm.at[pl.ds(base, mpw)], idx_v)
        bufs = (buf0, buf1)
        sems = (sem0, sem1)
        cps = [None, None]
        cps[0] = pltpu.async_copy(
            table_hbm.at[idx_v.at[pl.ds(0, chunk)]], buf0, sem0)
        for c in range(nch):
            s = c % 2
            if c + 1 < nch:
                cps[1 - s] = pltpu.async_copy(
                    table_hbm.at[idx_v.at[pl.ds((c + 1) * chunk, chunk)]],
                    bufs[1 - s], sems[1 - s])
            cps[s].wait()
            pltpu.sync_copy(bufs[s], out_hbm.at[pl.ds(base + c * chunk, chunk)])

    return k(table, idx)


def _grouped_matmul(xg, W, b, blk_e, nused, run_first, parity, next_e, has_next):

    def body(be_ref, nu_ref, rf_ref, par_ref, ne_ref, hn_ref,
             x_ref, w_hbm, b_ref, o_ref, wbuf, wbf, sems):
        g = pl.program_id(0)
        par = par_ref[g]

        @pl.when(g == 0)
        def _():
            pltpu.make_async_copy(w_hbm.at[be_ref[0]], wbuf.at[0],
                                  sems.at[0]).start()

        @pl.when((rf_ref[g] == 1) & (hn_ref[g] == 1))
        def _():
            pltpu.make_async_copy(w_hbm.at[ne_ref[g]], wbuf.at[1 - par],
                                  sems.at[1 - par]).start()

        @pl.when(rf_ref[g] == 1)
        def _():
            pltpu.make_async_copy(w_hbm.at[be_ref[g]], wbuf.at[par],
                                  sems.at[par]).wait()
            wbf[par] = wbuf[par].astype(jnp.bfloat16)

        @pl.when(g < nu_ref[0])
        def _():
            x = x_ref[...].astype(jnp.bfloat16)
            acc = jnp.dot(x, wbf[par], preferred_element_type=jnp.float32)
            o_ref[...] = acc + b_ref[0]

    grid_spec = pltpu.PrefetchScalarGridSpec(
        num_scalar_prefetch=6,
        grid=(G,),
        in_specs=[
            pl.BlockSpec((BLK, D), lambda g, *_: (g, 0)),
            pl.BlockSpec(memory_space=pl.ANY),
            pl.BlockSpec((1, 1, D), lambda g, be, *_: (be[g], 0, 0)),
        ],
        out_specs=pl.BlockSpec((BLK, D), lambda g, *_: (g, 0)),
        scratch_shapes=[
            pltpu.VMEM((2, D, D), jnp.float32),
            pltpu.VMEM((2, D, D), jnp.bfloat16),
            pltpu.SemaphoreType.DMA((2,)),
        ],
    )
    return pl.pallas_call(
        body,
        grid_spec=grid_spec,
        out_shape=jax.ShapeDtypeStruct((P, D), jnp.float32),
    )(blk_e, nused, run_first, parity, next_e, has_next,
      xg, W, b.reshape(E, 1, D))


def kernel(xs, mxs, actions, W, b):
    a = actions.astype(jnp.int32)
    oh = (a[:, None] == jnp.arange(E, dtype=jnp.int32)[None, :]).astype(jnp.int16)
    csum = jnp.cumsum(oh, axis=0)
    counts = csum[-1].astype(jnp.int32)
    rank = jnp.take_along_axis(csum, a[:, None], axis=1)[:, 0].astype(jnp.int32) - 1
    bpe = (counts + BLK - 1) // BLK
    starts = jnp.cumsum(bpe) - bpe
    pos = starts[a] * BLK + rank
    src = (jnp.arange(P, dtype=jnp.int32) % N).at[pos].set(
        jnp.arange(N, dtype=jnp.int32))
    gi = jnp.arange(G, dtype=jnp.int32)
    blk_e = jnp.clip(
        jnp.sum((gi[:, None] >= starts[None, :]).astype(jnp.int32), axis=1) - 1,
        0, E - 1)
    nused = jnp.sum(bpe, dtype=jnp.int32).reshape(1)
    chg = jnp.concatenate(
        [jnp.ones((1,), jnp.int32), (blk_e[1:] != blk_e[:-1]).astype(jnp.int32)])
    parity = ((jnp.cumsum(chg) - 1) % 2).astype(jnp.int32)
    arr = jnp.where(chg == 1, gi, G)
    nch = jnp.concatenate(
        [lax.cummin(arr, axis=0, reverse=True)[1:], jnp.full((1,), G, jnp.int32)])
    has_next = (nch < G).astype(jnp.int32)
    next_e = blk_e[jnp.minimum(nch, G - 1)]

    xg = _gather_rows(xs, src, 32)
    ys_sorted = _grouped_matmul(xg, W, b, blk_e, nused,
                                chg, parity, next_e, has_next)
    ys = _gather_rows(ys_sorted, pos, 32)
    return (ys, mxs, actions)

# --- scband reference (transcript-rebuilt; emitter-appended) ---
"""Pipeline reference for scband-selection-31086973288812 (READ-ONLY COPY).

The authoritative reference and input builder live on the scoring server;
editing this copy changes nothing except your own understanding.
"""

import jax, jax.numpy as jnp
import numpy as np

E = 8
D = 1024
N = 4096

def setup_inputs(seed: int = 0) -> dict:
    key = jax.random.key(seed)
    k1, k2, k3, k4 = jax.random.split(key, 4)
    xs = jax.random.normal(k1, (N, D), dtype=jnp.float32)
    mxs = jnp.zeros((N, 1), dtype=jnp.float32)  # stand-in for the per-sample metadata list (passthrough)
    actions = jax.random.randint(k2, (N,), 0, E)
    # Each submodule i is Linear(D, D): y = x @ W[i] + b[i]
    W = jax.random.normal(k3, (E, D, D), dtype=jnp.float32) / np.sqrt(D)
    b = jax.random.normal(k4, (E, D), dtype=jnp.float32) * 0.01
    return {"xs": xs, "mxs": mxs, "actions": actions, "W": W, "b": b}

def reference(xs, mxs, actions, W, b):
    # Faithful translation of Selection.forward with mask=None (all active):
    # for each expert i: ys[actions == i] = submodule_i(xs[actions == i])
    # Equivalent dense form: compute every expert on every token, then hard top-1 select.
    ys_all = jnp.einsum('nd,edk->enk', xs, W) + b[:, None, :]  # [E, N, D]
    onehot = jax.nn.one_hot(actions, E, dtype=xs.dtype)        # [N, E] hard dispatch mask
    ys = jnp.einsum('ne,enk->nk', onehot, ys_all)              # [N, D]
    return (ys, mxs, actions)

if __name__ == "__main__":
    import jax
    _d = setup_inputs()
    print(jax.jit(kernel)(*tuple(_d.values())))

</pallas_src>

<mosaic_0001>
#map = affine_map<(d0, d1) -> (0, 0)>
#map1 = affine_map<(d0, d1) -> (0)>
module attributes {stable_mosaic.version = 14 : i64} {
  func.func @k(%arg0: i32, %arg1: i32, %arg2: memref<4096x1024xf32, #tpu.memory_space<hbm>>, %arg3: memref<6144xi32, #tpu.memory_space<hbm>>, %arg4: memref<6144x1024xf32, #tpu.memory_space<hbm>>, %arg5: memref<192xi32, #tpu.memory_space<vmem>>, %arg6: memref<32x1024xf32, #tpu.memory_space<vmem>>, %arg7: memref<32x1024xf32, #tpu.memory_space<vmem>>, %arg8: memref<!tpu.dma_semaphore, #tpu.memory_space<semaphore_mem>>, %arg9: memref<!tpu.dma_semaphore, #tpu.memory_space<semaphore_mem>>) attributes {dimension_semantics = [#tpu.dimension_semantics<core_parallel>, #tpu.dimension_semantics<subcore_parallel>], iteration_bounds = array<i64: 2, 16>, scalar_prefetch = 0 : i64, scratch_operands = 5 : i64, tpu.core_type = #tpu.core_type<sc_vector_subcore>, window_params = [{transform_indices = #map}, {transform_indices = #map1}, {transform_indices = #map}]} {
    %mul3A = arith.constant 2 : i32
    %mul3A_0 = arith.muli %arg1, %mul3A : i32
    %add3A = arith.addi %mul3A_0, %arg0 : i32
    %mul3A_1 = arith.constant 192 : i32
    %mul3A_2 = arith.muli %add3A, %mul3A_1 : i32
    "tpu.region"() ({
      %run_scoped3A = tpu.sem_alloc : memref<!tpu.dma_semaphore, #tpu.memory_space<semaphore_mem>>
      %dma_start3A_73 = tpu.memref_slice %arg3[%mul3A_2] : memref<6144xi32, #tpu.memory_space<hbm>> -> memref<192xi32, #tpu.memory_space<hbm>>
      %dma_start3A_74 = tpu.memref_slice %arg3[%mul3A_2] : memref<6144xi32, #tpu.memory_space<hbm>> -> memref<192xi32, #tpu.memory_space<hbm>>
      tpu.enqueue_dma source(%dma_start3A_74 : memref<192xi32, #tpu.memory_space<hbm>>) target(%arg5 : memref<192xi32, #tpu.memory_space<vmem>>) target_semaphore(%run_scoped3A : memref<!tpu.dma_semaphore, #tpu.memory_space<semaphore_mem>>)
      %dma_wait3A_75 = tpu.memref_slice %arg3[%mul3A_2] : memref<6144xi32, #tpu.memory_space<hbm>> -> memref<192xi32, #tpu.memory_space<hbm>>
      %dma_wait3A_76 = tpu.memref_slice %arg3[%mul3A_2] : memref<6144xi32, #tpu.memory_space<hbm>> -> memref<192xi32, #tpu.memory_space<hbm>>
      tpu.wait_dma2 semaphore(%run_scoped3A : memref<!tpu.dma_semaphore, #tpu.memory_space<semaphore_mem>>) src(%dma_wait3A_76 : memref<192xi32, #tpu.memory_space<hbm>>) dst(%arg5 : memref<192xi32, #tpu.memory_space<vmem>>)
      tpu.yield
    }) : () -> ()
    %dma_start3A = arith.constant 0 : i32
    %dma_start3A_3 = tpu.memref_slice %arg5[%dma_start3A] : memref<192xi32, #tpu.memory_space<vmem>> -> memref<32xi32, #tpu.memory_space<vmem>>
    %dma_start3A_4 = arith.constant 0 : i32
    %dma_start3A_5 = arith.constant 0 : i32
    %dma_start3A_6 = tpu.memref_slice %arg2[%dma_start3A_4, %dma_start3A_5] : memref<4096x1024xf32, #tpu.memory_space<hbm>> -> memref<4096x1024xf32, #tpu.memory_space<hbm>>
    tpu.enqueue_indirect_dma source(%dma_start3A_6 : memref<4096x1024xf32, #tpu.memory_space<hbm>>) target(%arg6 : memref<32x1024xf32, #tpu.memory_space<vmem>>) offsets(%dma_start3A_3 : memref<32xi32, #tpu.memory_space<vmem>>) semaphore(%arg8 : memref<!tpu.dma_semaphore, #tpu.memory_space<semaphore_mem>>)
    %dma_start3A_7 = arith.constant 32 : i32
    %dma_start3A_8 = tpu.memref_slice %arg5[%dma_start3A_7] : memref<192xi32, #tpu.memory_space<vmem>> -> memref<32xi32, #tpu.memory_space<vmem>>
    %dma_start3A_9 = arith.constant 0 : i32
    %dma_start3A_10 = arith.constant 0 : i32
    %dma_start3A_11 = tpu.memref_slice %arg2[%dma_start3A_9, %dma_start3A_10] : memref<4096x1024xf32, #tpu.memory_space<hbm>> -> memref<4096x1024xf32, #tpu.memory_space<hbm>>
    tpu.enqueue_indirect_dma source(%dma_start3A_11 : memref<4096x1024xf32, #tpu.memory_space<hbm>>) target(%arg7 : memref<32x1024xf32, #tpu.memory_space<vmem>>) offsets(%dma_start3A_8 : memref<32xi32, #tpu.memory_space<vmem>>) semaphore(%arg9 : memref<!tpu.dma_semaphore, #tpu.memory_space<semaphore_mem>>)
    %dma_wait3A = arith.constant 0 : i32
    %dma_wait3A_12 = tpu.memref_slice %arg5[%dma_wait3A] : memref<192xi32, #tpu.memory_space<vmem>> -> memref<32xi32, #tpu.memory_space<vmem>>
    %dma_wait3A_13 = arith.constant 0 : i32
    %dma_wait3A_14 = arith.constant 0 : i32
    %dma_wait3A_15 = tpu.memref_slice %arg2[%dma_wait3A_13, %dma_wait3A_14] : memref<4096x1024xf32, #tpu.memory_space<hbm>> -> memref<4096x1024xf32, #tpu.memory_space<hbm>>
    tpu.wait_indirect_dma semaphore(%arg8 : memref<!tpu.dma_semaphore, #tpu.memory_space<semaphore_mem>>) src(%dma_wait3A_15 : memref<4096x1024xf32, #tpu.memory_space<hbm>>) dst(%arg6 : memref<32x1024xf32, #tpu.memory_space<vmem>>)
    %add3A_16 = arith.constant 0 : i32
    %add3A_17 = arith.addi %mul3A_2, %add3A_16 : i32
    "tpu.region"() ({
      %run_scoped3A = tpu.sem_alloc : memref<!tpu.dma_semaphore, #tpu.memory_space<semaphore_mem>>
      %dma_start3A_73 = arith.constant 0 : i32
      %dma_start3A_74 = tpu.memref_slice %arg4[%add3A_17, %dma_start3A_73] : memref<6144x1024xf32, #tpu.memory_space<hbm>> -> memref<32x1024xf32, #tpu.memory_space<hbm>>
      %dma_start3A_75 = arith.constant 0 : i32
      %dma_start3A_76 = tpu.memref_slice %arg4[%add3A_17, %dma_start3A_75] : memref<6144x1024xf32, #tpu.memory_space<hbm>> -> memref<32x1024xf32, #tpu.memory_space<hbm>>
      tpu.enqueue_dma source(%arg6 : memref<32x1024xf32, #tpu.memory_space<vmem>>) target(%dma_start3A_76 : memref<32x1024xf32, #tpu.memory_space<hbm>>) target_semaphore(%run_scoped3A : memref<!tpu.dma_semaphore, #tpu.memory_space<semaphore_mem>>)
      %dma_wait3A_77 = arith.constant 0 : i32
      %dma_wait3A_78 = tpu.memref_slice %arg4[%add3A_17, %dma_wait3A_77] : memref<6144x1024xf32, #tpu.memory_space<hbm>> -> memref<32x1024xf32, #tpu.memory_space<hbm>>
      %dma_wait3A_79 = arith.constant 0 : i32
      %dma_wait3A_80 = tpu.memref_slice %arg4[%add3A_17, %dma_wait3A_79] : memref<6144x1024xf32, #tpu.memory_space<hbm>> -> memref<32x1024xf32, #tpu.memory_space<hbm>>
      tpu.wait_dma2 semaphore(%run_scoped3A : memref<!tpu.dma_semaphore, #tpu.memory_space<semaphore_mem>>) src(%arg6 : memref<32x1024xf32, #tpu.memory_space<vmem>>) dst(%dma_wait3A_80 : memref<32x1024xf32, #tpu.memory_space<hbm>>)
      tpu.yield
    }) : () -> ()
    %dma_start3A_18 = arith.constant 64 : i32
    %dma_start3A_19 = tpu.memref_slice %arg5[%dma_start3A_18] : memref<192xi32, #tpu.memory_space<vmem>> -> memref<32xi32, #tpu.memory_space<vmem>>
    %dma_start3A_20 = arith.constant 0 : i32
    %dma_start3A_21 = arith.constant 0 : i32
    %dma_start3A_22 = tpu.memref_slice %arg2[%dma_start3A_20, %dma_start3A_21] : memref<4096x1024xf32, #tpu.memory_space<hbm>> -> memref<4096x1024xf32, #tpu.memory_space<hbm>>
    tpu.enqueue_indirect_dma source(%dma_start3A_22 : memref<4096x1024xf32, #tpu.memory_space<hbm>>) target(%arg6 : memref<32x1024xf32, #tpu.memory_space<vmem>>) offsets(%dma_start3A_19 : memref<32xi32, #tpu.memory_space<vmem>>) semaphore(%arg8 : memref<!tpu.dma_semaphore, #tpu.memory_space<semaphore_mem>>)
    %dma_wait3A_23 = arith.constant 32 : i32
    %dma_wait3A_24 = tpu.memref_slice %arg5[%dma_wait3A_23] : memref<192xi32, #tpu.memory_space<vmem>> -> memref<32xi32, #tpu.memory_space<vmem>>
    %dma_wait3A_25 = arith.constant 0 : i32
    %dma_wait3A_26 = arith.constant 0 : i32
    %dma_wait3A_27 = tpu.memref_slice %arg2[%dma_wait3A_25, %dma_wait3A_26] : memref<4096x1024xf32, #tpu.memory_space<hbm>> -> memref<4096x1024xf32, #tpu.memory_space<hbm>>
    tpu.wait_indirect_dma semaphore(%arg9 : memref<!tpu.dma_semaphore, #tpu.memory_space<semaphore_mem>>) src(%dma_wait3A_27 : memref<4096x1024xf32, #tpu.memory_space<hbm>>) dst(%arg7 : memref<32x1024xf32, #tpu.memory_space<vmem>>)
    %add3A_28 = arith.constant 32 : i32
    %add3A_29 = arith.addi %mul3A_2, %add3A_28 : i32
    "tpu.region"() ({
      %run_scoped3A = tpu.sem_alloc : memref<!tpu.dma_semaphore, #tpu.memory_space<semaphore_mem>>
      %dma_start3A_73 = arith.constant 0 : i32
      %dma_start3A_74 = tpu.memref_slice %arg4[%add3A_29, %dma_start3A_73] : memref<6144x1024xf32, #tpu.memory_space<hbm>> -> memref<32x1024xf32, #tpu.memory_space<hbm>>
      %dma_start3A_75 = arith.constant 0 : i32
      %dma_start3A_76 = tpu.memref_slice %arg4[%add3A_29, %dma_start3A_75] : memref<6144x1024xf32, #tpu.memory_space<hbm>> -> memref<32x1024xf32, #tpu.memory_space<hbm>>
      tpu.enqueue_dma source(%arg7 : memref<32x1024xf32, #tpu.memory_space<vmem>>) target(%dma_start3A_76 : memref<32x1024xf32, #tpu.memory_space<hbm>>) target_semaphore(%run_scoped3A : memref<!tpu.dma_semaphore, #tpu.memory_space<semaphore_mem>>)
      %dma_wait3A_77 = arith.constant 0 : i32
      %dma_wait3A_78 = tpu.memref_slice %arg4[%add3A_29, %dma_wait3A_77] : memref<6144x1024xf32, #tpu.memory_space<hbm>> -> memref<32x1024xf32, #tpu.memory_space<hbm>>
      %dma_wait3A_79 = arith.constant 0 : i32
      %dma_wait3A_80 = tpu.memref_slice %arg4[%add3A_29, %dma_wait3A_79] : memref<6144x1024xf32, #tpu.memory_space<hbm>> -> memref<32x1024xf32, #tpu.memory_space<hbm>>
      tpu.wait_dma2 semaphore(%run_scoped3A : memref<!tpu.dma_semaphore, #tpu.memory_space<semaphore_mem>>) src(%arg7 : memref<32x1024xf32, #tpu.memory_space<vmem>>) dst(%dma_wait3A_80 : memref<32x1024xf32, #tpu.memory_space<hbm>>)
      tpu.yield
    }) : () -> ()
    %dma_start3A_30 = arith.constant 96 : i32
    %dma_start3A_31 = tpu.memref_slice %arg5[%dma_start3A_30] : memref<192xi32, #tpu.memory_space<vmem>> -> memref<32xi32, #tpu.memory_space<vmem>>
    %dma_start3A_32 = arith.constant 0 : i32
    %dma_start3A_33 = arith.constant 0 : i32
    %dma_start3A_34 = tpu.memref_slice %arg2[%dma_start3A_32, %dma_start3A_33] : memref<4096x1024xf32, #tpu.memory_space<hbm>> -> memref<4096x1024xf32, #tpu.memory_space<hbm>>
    tpu.enqueue_indirect_dma source(%dma_start3A_34 : memref<4096x1024xf32, #tpu.memory_space<hbm>>) target(%arg7 : memref<32x1024xf32, #tpu.memory_space<vmem>>) offsets(%dma_start3A_31 : memref<32xi32, #tpu.memory_space<vmem>>) semaphore(%arg9 : memref<!tpu.dma_semaphore, #tpu.memory_space<semaphore_mem>>)
    %dma_wait3A_35 = arith.constant 64 : i32
    %dma_wait3A_36 = tpu.memref_slice %arg5[%dma_wait3A_35] : memref<192xi32, #tpu.memory_space<vmem>> -> memref<32xi32, #tpu.memory_space<vmem>>
    %dma_wait3A_37 = arith.constant 0 : i32
    %dma_wait3A_38 = arith.constant 0 : i32
    %dma_wait3A_39 = tpu.memref_slice %arg2[%dma_wait3A_37, %dma_wait3A_38] : memref<4096x1024xf32, #tpu.memory_space<hbm>> -> memref<4096x1024xf32, #tpu.memory_space<hbm>>
    tpu.wait_indirect_dma semaphore(%arg8 : memref<!tpu.dma_semaphore, #tpu.memory_space<semaphore_mem>>) src(%dma_wait3A_39 : memref<4096x1024xf32, #tpu.memory_space<hbm>>) dst(%arg6 : memref<32x1024xf32, #tpu.memory_space<vmem>>)
    %add3A_40 = arith.constant 64 : i32
    %add3A_41 = arith.addi %mul3A_2, %add3A_40 : i32
    "tpu.region"() ({
      %run_scoped3A = tpu.sem_alloc : memref<!tpu.dma_semaphore, #tpu.memory_space<semaphore_mem>>
      %dma_start3A_73 = arith.constant 0 : i32
      %dma_start3A_74 = tpu.memref_slice %arg4[%add3A_41, %dma_start3A_73] : memref<6144x1024xf32, #tpu.memory_space<hbm>> -> memref<32x1024xf32, #tpu.memory_space<hbm>>
      %dma_start3A_75 = arith.constant 0 : i32
      %dma_start3A_76 = tpu.memref_slice %arg4[%add3A_41, %dma_start3A_75] : memref<6144x1024xf32, #tpu.memory_space<hbm>> -> memref<32x1024xf32, #tpu.memory_space<hbm>>
      tpu.enqueue_dma source(%arg6 : memref<32x1024xf32, #tpu.memory_space<vmem>>) target(%dma_start3A_76 : memref<32x1024xf32, #tpu.memory_space<hbm>>) target_semaphore(%run_scoped3A : memref<!tpu.dma_semaphore, #tpu.memory_space<semaphore_mem>>)
      %dma_wait3A_77 = arith.constant 0 : i32
      %dma_wait3A_78 = tpu.memref_slice %arg4[%add3A_41, %dma_wait3A_77] : memref<6144x1024xf32, #tpu.memory_space<hbm>> -> memref<32x1024xf32, #tpu.memory_space<hbm>>
      %dma_wait3A_79 = arith.constant 0 : i32
      %dma_wait3A_80 = tpu.memref_slice %arg4[%add3A_41, %dma_wait3A_79] : memref<6144x1024xf32, #tpu.memory_space<hbm>> -> memref<32x1024xf32, #tpu.memory_space<hbm>>
      tpu.wait_dma2 semaphore(%run_scoped3A : memref<!tpu.dma_semaphore, #tpu.memory_space<semaphore_mem>>) src(%arg6 : memref<32x1024xf32, #tpu.memory_space<vmem>>) dst(%dma_wait3A_80 : memref<32x1024xf32, #tpu.memory_space<hbm>>)
      tpu.yield
    }) : () -> ()
    %dma_start3A_42 = arith.constant 128 : i32
    %dma_start3A_43 = tpu.memref_slice %arg5[%dma_start3A_42] : memref<192xi32, #tpu.memory_space<vmem>> -> memref<32xi32, #tpu.memory_space<vmem>>
    %dma_start3A_44 = arith.constant 0 : i32
    %dma_start3A_45 = arith.constant 0 : i32
    %dma_start3A_46 = tpu.memref_slice %arg2[%dma_start3A_44, %dma_start3A_45] : memref<4096x1024xf32, #tpu.memory_space<hbm>> -> memref<4096x1024xf32, #tpu.memory_space<hbm>>
    tpu.enqueue_indirect_dma source(%dma_start3A_46 : memref<4096x1024xf32, #tpu.memory_space<hbm>>) target(%arg6 : memref<32x1024xf32, #tpu.memory_space<vmem>>) offsets(%dma_start3A_43 : memref<32xi32, #tpu.memory_space<vmem>>) semaphore(%arg8 : memref<!tpu.dma_semaphore, #tpu.memory_space<semaphore_mem>>)
    %dma_wait3A_47 = arith.constant 96 : i32
    %dma_wait3A_48 = tpu.memref_slice %arg5[%dma_wait3A_47] : memref<192xi32, #tpu.memory_space<vmem>> -> memref<32xi32, #tpu.memory_space<vmem>>
    %dma_wait3A_49 = arith.constant 0 : i32
    %dma_wait3A_50 = arith.constant 0 : i32
    %dma_wait3A_51 = tpu.memref_slice %arg2[%dma_wait3A_49, %dma_wait3A_50] : memref<4096x1024xf32, #tpu.memory_space<hbm>> -> memref<4096x1024xf32, #tpu.memory_space<hbm>>
    tpu.wait_indirect_dma semaphore(%arg9 : memref<!tpu.dma_semaphore, #tpu.memory_space<semaphore_mem>>) src(%dma_wait3A_51 : memref<4096x1024xf32, #tpu.memory_space<hbm>>) dst(%arg7 : memref<32x1024xf32, #tpu.memory_space<vmem>>)
    %add3A_52 = arith.constant 96 : i32
    %add3A_53 = arith.addi %mul3A_2, %add3A_52 : i32
    "tpu.region"() ({
      %run_scoped3A = tpu.sem_alloc : memref<!tpu.dma_semaphore, #tpu.memory_space<semaphore_mem>>
      %dma_start3A_73 = arith.constant 0 : i32
      %dma_start3A_74 = tpu.memref_slice %arg4[%add3A_53, %dma_start3A_73] : memref<6144x1024xf32, #tpu.memory_space<hbm>> -> memref<32x1024xf32, #tpu.memory_space<hbm>>
      %dma_start3A_75 = arith.constant 0 : i32
      %dma_start3A_76 = tpu.memref_slice %arg4[%add3A_53, %dma_start3A_75] : memref<6144x1024xf32, #tpu.memory_space<hbm>> -> memref<32x1024xf32, #tpu.memory_space<hbm>>
      tpu.enqueue_dma source(%arg7 : memref<32x1024xf32, #tpu.memory_space<vmem>>) target(%dma_start3A_76 : memref<32x1024xf32, #tpu.memory_space<hbm>>) target_semaphore(%run_scoped3A : memref<!tpu.dma_semaphore, #tpu.memory_space<semaphore_mem>>)
      %dma_wait3A_77 = arith.constant 0 : i32
      %dma_wait3A_78 = tpu.memref_slice %arg4[%add3A_53, %dma_wait3A_77] : memref<6144x1024xf32, #tpu.memory_space<hbm>> -> memref<32x1024xf32, #tpu.memory_space<hbm>>
      %dma_wait3A_79 = arith.constant 0 : i32
      %dma_wait3A_80 = tpu.memref_slice %arg4[%add3A_53, %dma_wait3A_79] : memref<6144x1024xf32, #tpu.memory_space<hbm>> -> memref<32x1024xf32, #tpu.memory_space<hbm>>
      tpu.wait_dma2 semaphore(%run_scoped3A : memref<!tpu.dma_semaphore, #tpu.memory_space<semaphore_mem>>) src(%arg7 : memref<32x1024xf32, #tpu.memory_space<vmem>>) dst(%dma_wait3A_80 : memref<32x1024xf32, #tpu.memory_space<hbm>>)
      tpu.yield
    }) : () -> ()
    %dma_start3A_54 = arith.constant 160 : i32
    %dma_start3A_55 = tpu.memref_slice %arg5[%dma_start3A_54] : memref<192xi32, #tpu.memory_space<vmem>> -> memref<32xi32, #tpu.memory_space<vmem>>
    %dma_start3A_56 = arith.constant 0 : i32
    %dma_start3A_57 = arith.constant 0 : i32
    %dma_start3A_58 = tpu.memref_slice %arg2[%dma_start3A_56, %dma_start3A_57] : memref<4096x1024xf32, #tpu.memory_space<hbm>> -> memref<4096x1024xf32, #tpu.memory_space<hbm>>
    tpu.enqueue_indirect_dma source(%dma_start3A_58 : memref<4096x1024xf32, #tpu.memory_space<hbm>>) target(%arg7 : memref<32x1024xf32, #tpu.memory_space<vmem>>) offsets(%dma_start3A_55 : memref<32xi32, #tpu.memory_space<vmem>>) semaphore(%arg9 : memref<!tpu.dma_semaphore, #tpu.memory_space<semaphore_mem>>)
    %dma_wait3A_59 = arith.constant 128 : i32
    %dma_wait3A_60 = tpu.memref_slice %arg5[%dma_wait3A_59] : memref<192xi32, #tpu.memory_space<vmem>> -> memref<32xi32, #tpu.memory_space<vmem>>
    %dma_wait3A_61 = arith.constant 0 : i32
    %dma_wait3A_62 = arith.constant 0 : i32
    %dma_wait3A_63 = tpu.memref_slice %arg2[%dma_wait3A_61, %dma_wait3A_62] : memref<4096x1024xf32, #tpu.memory_space<hbm>> -> memref<4096x1024xf32, #tpu.memory_space<hbm>>
    tpu.wait_indirect_dma semaphore(%arg8 : memref<!tpu.dma_semaphore, #tpu.memory_space<semaphore_mem>>) src(%dma_wait3A_63 : memref<4096x1024xf32, #tpu.memory_space<hbm>>) dst(%arg6 : memref<32x1024xf32, #tpu.memory_space<vmem>>)
    %add3A_64 = arith.constant 128 : i32
    %add3A_65 = arith.addi %mul3A_2, %add3A_64 : i32
    "tpu.region"() ({
      %run_scoped3A = tpu.sem_alloc : memref<!tpu.dma_semaphore, #tpu.memory_space<semaphore_mem>>
      %dma_start3A_73 = arith.constant 0 : i32
      %dma_start3A_74 = tpu.memref_slice %arg4[%add3A_65, %dma_start3A_73] : memref<6144x1024xf32, #tpu.memory_space<hbm>> -> memref<32x1024xf32, #tpu.memory_space<hbm>>
      %dma_start3A_75 = arith.constant 0 : i32
      %dma_start3A_76 = tpu.memref_slice %arg4[%add3A_65, %dma_start3A_75] : memref<6144x1024xf32, #tpu.memory_space<hbm>> -> memref<32x1024xf32, #tpu.memory_space<hbm>>
      tpu.enqueue_dma source(%arg6 : memref<32x1024xf32, #tpu.memory_space<vmem>>) target(%dma_start3A_76 : memref<32x1024xf32, #tpu.memory_space<hbm>>) target_semaphore(%run_scoped3A : memref<!tpu.dma_semaphore, #tpu.memory_space<semaphore_mem>>)
      %dma_wait3A_77 = arith.constant 0 : i32
      %dma_wait3A_78 = tpu.memref_slice %arg4[%add3A_65, %dma_wait3A_77] : memref<6144x1024xf32, #tpu.memory_space<hbm>> -> memref<32x1024xf32, #tpu.memory_space<hbm>>
      %dma_wait3A_79 = arith.constant 0 : i32
      %dma_wait3A_80 = tpu.memref_slice %arg4[%add3A_65, %dma_wait3A_79] : memref<6144x1024xf32, #tpu.memory_space<hbm>> -> memref<32x1024xf32, #tpu.memory_space<hbm>>
      tpu.wait_dma2 semaphore(%run_scoped3A : memref<!tpu.dma_semaphore, #tpu.memory_space<semaphore_mem>>) src(%arg6 : memref<32x1024xf32, #tpu.memory_space<vmem>>) dst(%dma_wait3A_80 : memref<32x1024xf32, #tpu.memory_space<hbm>>)
      tpu.yield
    }) : () -> ()
    %dma_wait3A_66 = arith.constant 160 : i32
    %dma_wait3A_67 = tpu.memref_slice %arg5[%dma_wait3A_66] : memref<192xi32, #tpu.memory_space<vmem>> -> memref<32xi32, #tpu.memory_space<vmem>>
    %dma_wait3A_68 = arith.constant 0 : i32
    %dma_wait3A_69 = arith.constant 0 : i32
    %dma_wait3A_70 = tpu.memref_slice %arg2[%dma_wait3A_68, %dma_wait3A_69] : memref<4096x1024xf32, #tpu.memory_space<hbm>> -> memref<4096x1024xf32, #tpu.memory_space<hbm>>
    tpu.wait_indirect_dma semaphore(%arg9 : memref<!tpu.dma_semaphore, #tpu.memory_space<semaphore_mem>>) src(%dma_wait3A_70 : memref<4096x1024xf32, #tpu.memory_space<hbm>>) dst(%arg7 : memref<32x1024xf32, #tpu.memory_space<vmem>>)
    %add3A_71 = arith.constant 160 : i32
    %add3A_72 = arith.addi %mul3A_2, %add3A_71 : i32
    "tpu.region"() ({
      %run_scoped3A = tpu.sem_alloc : memref<!tpu.dma_semaphore, #tpu.memory_space<semaphore_mem>>
      %dma_start3A_73 = arith.constant 0 : i32
      %dma_start3A_74 = tpu.memref_slice %arg4[%add3A_72, %dma_start3A_73] : memref<6144x1024xf32, #tpu.memory_space<hbm>> -> memref<32x1024xf32, #tpu.memory_space<hbm>>
      %dma_start3A_75 = arith.constant 0 : i32
      %dma_start3A_76 = tpu.memref_slice %arg4[%add3A_72, %dma_start3A_75] : memref<6144x1024xf32, #tpu.memory_space<hbm>> -> memref<32x1024xf32, #tpu.memory_space<hbm>>
      tpu.enqueue_dma source(%arg7 : memref<32x1024xf32, #tpu.memory_space<vmem>>) target(%dma_start3A_76 : memref<32x1024xf32, #tpu.memory_space<hbm>>) target_semaphore(%run_scoped3A : memref<!tpu.dma_semaphore, #tpu.memory_space<semaphore_mem>>)
      %dma_wait3A_77 = arith.constant 0 : i32
      %dma_wait3A_78 = tpu.memref_slice %arg4[%add3A_72, %dma_wait3A_77] : memref<6144x1024xf32, #tpu.memory_space<hbm>> -> memref<32x1024xf32, #tpu.memory_space<hbm>>
      %dma_wait3A_79 = arith.constant 0 : i32
      %dma_wait3A_80 = tpu.memref_slice %arg4[%add3A_72, %dma_wait3A_79] : memref<6144x1024xf32, #tpu.memory_space<hbm>> -> memref<32x1024xf32, #tpu.memory_space<hbm>>
      tpu.wait_dma2 semaphore(%run_scoped3A : memref<!tpu.dma_semaphore, #tpu.memory_space<semaphore_mem>>) src(%arg7 : memref<32x1024xf32, #tpu.memory_space<vmem>>) dst(%dma_wait3A_80 : memref<32x1024xf32, #tpu.memory_space<hbm>>)
      tpu.yield
    }) : () -> ()
    return
  }
}

#map = affine_map<(d0, d1) -> (0, 0)>
#map1 = affine_map<(d0, d1) -> (0)>
module attributes {stable_mosaic.version = 14 : i64} {
  func.func @k(%arg0: i32, %arg1: i32, %arg2: memref<6144x1024xf32, #tpu.memory_space<hbm>>, %arg3: memref<4096xi32, #tpu.memory_space<hbm>>, %arg4: memref<4096x1024xf32, #tpu.memory_space<hbm>>, %arg5: memref<128xi32, #tpu.memory_space<vmem>>, %arg6: memref<32x1024xf32, #tpu.memory_space<vmem>>, %arg7: memref<32x1024xf32, #tpu.memory_space<vmem>>, %arg8: memref<!tpu.dma_semaphore, #tpu.memory_space<semaphore_mem>>, %arg9: memref<!tpu.dma_semaphore, #tpu.memory_space<semaphore_mem>>) attributes {dimension_semantics = [#tpu.dimension_semantics<core_parallel>, #tpu.dimension_semantics<subcore_parallel>], iteration_bounds = array<i64: 2, 16>, scalar_prefetch = 0 : i64, scratch_operands = 5 : i64, tpu.core_type = #tpu.core_type<sc_vector_subcore>, window_params = [{transform_indices = #map}, {transform_indices = #map1}, {transform_indices = #map}]} {
    %mul3A = arith.constant 2 : i32
    %mul3A_0 = arith.muli %arg1, %mul3A : i32
    %add3A = arith.addi %mul3A_0, %arg0 : i32
    %mul3A_1 = arith.constant 128 : i32
    %mul3A_2 = arith.muli %add3A, %mul3A_1 : i32
    "tpu.region"() ({
      %run_scoped3A = tpu.sem_alloc : memref<!tpu.dma_semaphore, #tpu.memory_space<semaphore_mem>>
      %dma_start3A_49 = tpu.memref_slice %arg3[%mul3A_2] : memref<4096xi32, #tpu.memory_space<hbm>> -> memref<128xi32, #tpu.memory_space<hbm>>
      %dma_start3A_50 = tpu.memref_slice %arg3[%mul3A_2] : memref<4096xi32, #tpu.memory_space<hbm>> -> memref<128xi32, #tpu.memory_space<hbm>>
      tpu.enqueue_dma source(%dma_start3A_50 : memref<128xi32, #tpu.memory_space<hbm>>) target(%arg5 : memref<128xi32, #tpu.memory_space<vmem>>) target_semaphore(%run_scoped3A : memref<!tpu.dma_semaphore, #tpu.memory_space<semaphore_mem>>)
      %dma_wait3A_51 = tpu.memref_slice %arg3[%mul3A_2] : memref<4096xi32, #tpu.memory_space<hbm>> -> memref<128xi32, #tpu.memory_space<hbm>>
      %dma_wait3A_52 = tpu.memref_slice %arg3[%mul3A_2] : memref<4096xi32, #tpu.memory_space<hbm>> -> memref<128xi32, #tpu.memory_space<hbm>>
      tpu.wait_dma2 semaphore(%run_scoped3A : memref<!tpu.dma_semaphore, #tpu.memory_space<semaphore_mem>>) src(%dma_wait3A_52 : memref<128xi32, #tpu.memory_space<hbm>>) dst(%arg5 : memref<128xi32, #tpu.memory_space<vmem>>)
      tpu.yield
    }) : () -> ()
    %dma_start3A = arith.constant 0 : i32
    %dma_start3A_3 = tpu.memref_slice %arg5[%dma_start3A] : memref<128xi32, #tpu.memory_space<vmem>> -> memref<32xi32, #tpu.memory_space<vmem>>
    %dma_start3A_4 = arith.constant 0 : i32
    %dma_start3A_5 = arith.constant 0 : i32
    %dma_start3A_6 = tpu.memref_slice %arg2[%dma_start3A_4, %dma_start3A_5] : memref<6144x1024xf32, #tpu.memory_space<hbm>> -> memref<6144x1024xf32, #tpu.memory_space<hbm>>
    tpu.enqueue_indirect_dma source(%dma_start3A_6 : memref<6144x1024xf32, #tpu.memory_space<hbm>>) target(%arg6 : memref<32x1024xf32, #tpu.memory_space<vmem>>) offsets(%dma_start3A_3 : memref<32xi32, #tpu.memory_space<vmem>>) semaphore(%arg8 : memref<!tpu.dma_semaphore, #tpu.memory_space<semaphore_mem>>)
    %dma_start3A_7 = arith.constant 32 : i32
    %dma_start3A_8 = tpu.memref_slice %arg5[%dma_start3A_7] : memref<128xi32, #tpu.memory_space<vmem>> -> memref<32xi32, #tpu.memory_space<vmem>>
    %dma_start3A_9 = arith.constant 0 : i32
    %dma_start3A_10 = arith.constant 0 : i32
    %dma_start3A_11 = tpu.memref_slice %arg2[%dma_start3A_9, %dma_start3A_10] : memref<6144x1024xf32, #tpu.memory_space<hbm>> -> memref<6144x1024xf32, #tpu.memory_space<hbm>>
    tpu.enqueue_indirect_dma source(%dma_start3A_11 : memref<6144x1024xf32, #tpu.memory_space<hbm>>) target(%arg7 : memref<32x1024xf32, #tpu.memory_space<vmem>>) offsets(%dma_start3A_8 : memref<32xi32, #tpu.memory_space<vmem>>) semaphore(%arg9 : memref<!tpu.dma_semaphore, #tpu.memory_space<semaphore_mem>>)
    %dma_wait3A = arith.constant 0 : i32
    %dma_wait3A_12 = tpu.memref_slice %arg5[%dma_wait3A] : memref<128xi32, #tpu.memory_space<vmem>> -> memref<32xi32, #tpu.memory_space<vmem>>
    %dma_wait3A_13 = arith.constant 0 : i32
    %dma_wait3A_14 = arith.constant 0 : i32
    %dma_wait3A_15 = tpu.memref_slice %arg2[%dma_wait3A_13, %dma_wait3A_14] : memref<6144x1024xf32, #tpu.memory_space<hbm>> -> memref<6144x1024xf32, #tpu.memory_space<hbm>>
    tpu.wait_indirect_dma semaphore(%arg8 : memref<!tpu.dma_semaphore, #tpu.memory_space<semaphore_mem>>) src(%dma_wait3A_15 : memref<6144x1024xf32, #tpu.memory_space<hbm>>) dst(%arg6 : memref<32x1024xf32, #tpu.memory_space<vmem>>)
    %add3A_16 = arith.constant 0 : i32
    %add3A_17 = arith.addi %mul3A_2, %add3A_16 : i32
    "tpu.region"() ({
      %run_scoped3A = tpu.sem_alloc : memref<!tpu.dma_semaphore, #tpu.memory_space<semaphore_mem>>
      %dma_start3A_49 = arith.constant 0 : i32
      %dma_start3A_50 = tpu.memref_slice %arg4[%add3A_17, %dma_start3A_49] : memref<4096x1024xf32, #tpu.memory_space<hbm>> -> memref<32x1024xf32, #tpu.memory_space<hbm>>
      %dma_start3A_51 = arith.constant 0 : i32
      %dma_start3A_52 = tpu.memref_slice %arg4[%add3A_17, %dma_start3A_51] : memref<4096x1024xf32, #tpu.memory_space<hbm>> -> memref<32x1024xf32, #tpu.memory_space<hbm>>
      tpu.enqueue_dma source(%arg6 : memref<32x1024xf32, #tpu.memory_space<vmem>>) target(%dma_start3A_52 : memref<32x1024xf32, #tpu.memory_space<hbm>>) target_semaphore(%run_scoped3A : memref<!tpu.dma_semaphore, #tpu.memory_space<semaphore_mem>>)
      %dma_wait3A_53 = arith.constant 0 : i32
      %dma_wait3A_54 = tpu.memref_slice %arg4[%add3A_17, %dma_wait3A_53] : memref<4096x1024xf32, #tpu.memory_space<hbm>> -> memref<32x1024xf32, #tpu.memory_space<hbm>>
      %dma_wait3A_55 = arith.constant 0 : i32
      %dma_wait3A_56 = tpu.memref_slice %arg4[%add3A_17, %dma_wait3A_55] : memref<4096x1024xf32, #tpu.memory_space<hbm>> -> memref<32x1024xf32, #tpu.memory_space<hbm>>
      tpu.wait_dma2 semaphore(%run_scoped3A : memref<!tpu.dma_semaphore, #tpu.memory_space<semaphore_mem>>) src(%arg6 : memref<32x1024xf32, #tpu.memory_space<vmem>>) dst(%dma_wait3A_56 : memref<32x1024xf32, #tpu.memory_space<hbm>>)
      tpu.yield
    }) : () -> ()
    %dma_start3A_18 = arith.constant 64 : i32
    %dma_start3A_19 = tpu.memref_slice %arg5[%dma_start3A_18] : memref<128xi32, #tpu.memory_space<vmem>> -> memref<32xi32, #tpu.memory_space<vmem>>
    %dma_start3A_20 = arith.constant 0 : i32
    %dma_start3A_21 = arith.constant 0 : i32
    %dma_start3A_22 = tpu.memref_slice %arg2[%dma_start3A_20, %dma_start3A_21] : memref<6144x1024xf32, #tpu.memory_space<hbm>> -> memref<6144x1024xf32, #tpu.memory_space<hbm>>
    tpu.enqueue_indirect_dma source(%dma_start3A_22 : memref<6144x1024xf32, #tpu.memory_space<hbm>>) target(%arg6 : memref<32x1024xf32, #tpu.memory_space<vmem>>) offsets(%dma_start3A_19 : memref<32xi32, #tpu.memory_space<vmem>>) semaphore(%arg8 : memref<!tpu.dma_semaphore, #tpu.memory_space<semaphore_mem>>)
    %dma_wait3A_23 = arith.constant 32 : i32
    %dma_wait3A_24 = tpu.memref_slice %arg5[%dma_wait3A_23] : memref<128xi32, #tpu.memory_space<vmem>> -> memref<32xi32, #tpu.memory_space<vmem>>
    %dma_wait3A_25 = arith.constant 0 : i32
    %dma_wait3A_26 = arith.constant 0 : i32
    %dma_wait3A_27 = tpu.memref_slice %arg2[%dma_wait3A_25, %dma_wait3A_26] : memref<6144x1024xf32, #tpu.memory_space<hbm>> -> memref<6144x1024xf32, #tpu.memory_space<hbm>>
    tpu.wait_indirect_dma semaphore(%arg9 : memref<!tpu.dma_semaphore, #tpu.memory_space<semaphore_mem>>) src(%dma_wait3A_27 : memref<6144x1024xf32, #tpu.memory_space<hbm>>) dst(%arg7 : memref<32x1024xf32, #tpu.memory_space<vmem>>)
    %add3A_28 = arith.constant 32 : i32
    %add3A_29 = arith.addi %mul3A_2, %add3A_28 : i32
    "tpu.region"() ({
      %run_scoped3A = tpu.sem_alloc : memref<!tpu.dma_semaphore, #tpu.memory_space<semaphore_mem>>
      %dma_start3A_49 = arith.constant 0 : i32
      %dma_start3A_50 = tpu.memref_slice %arg4[%add3A_29, %dma_start3A_49] : memref<4096x1024xf32, #tpu.memory_space<hbm>> -> memref<32x1024xf32, #tpu.memory_space<hbm>>
      %dma_start3A_51 = arith.constant 0 : i32
      %dma_start3A_52 = tpu.memref_slice %arg4[%add3A_29, %dma_start3A_51] : memref<4096x1024xf32, #tpu.memory_space<hbm>> -> memref<32x1024xf32, #tpu.memory_space<hbm>>
      tpu.enqueue_dma source(%arg7 : memref<32x1024xf32, #tpu.memory_space<vmem>>) target(%dma_start3A_52 : memref<32x1024xf32, #tpu.memory_space<hbm>>) target_semaphore(%run_scoped3A : memref<!tpu.dma_semaphore, #tpu.memory_space<semaphore_mem>>)
      %dma_wait3A_53 = arith.constant 0 : i32
      %dma_wait3A_54 = tpu.memref_slice %arg4[%add3A_29, %dma_wait3A_53] : memref<4096x1024xf32, #tpu.memory_space<hbm>> -> memref<32x1024xf32, #tpu.memory_space<hbm>>
      %dma_wait3A_55 = arith.constant 0 : i32
      %dma_wait3A_56 = tpu.memref_slice %arg4[%add3A_29, %dma_wait3A_55] : memref<4096x1024xf32, #tpu.memory_space<hbm>> -> memref<32x1024xf32, #tpu.memory_space<hbm>>
      tpu.wait_dma2 semaphore(%run_scoped3A : memref<!tpu.dma_semaphore, #tpu.memory_space<semaphore_mem>>) src(%arg7 : memref<32x1024xf32, #tpu.memory_space<vmem>>) dst(%dma_wait3A_56 : memref<32x1024xf32, #tpu.memory_space<hbm>>)
      tpu.yield
    }) : () -> ()
    %dma_start3A_30 = arith.constant 96 : i32
    %dma_start3A_31 = tpu.memref_slice %arg5[%dma_start3A_30] : memref<128xi32, #tpu.memory_space<vmem>> -> memref<32xi32, #tpu.memory_space<vmem>>
    %dma_start3A_32 = arith.constant 0 : i32
    %dma_start3A_33 = arith.constant 0 : i32
    %dma_start3A_34 = tpu.memref_slice %arg2[%dma_start3A_32, %dma_start3A_33] : memref<6144x1024xf32, #tpu.memory_space<hbm>> -> memref<6144x1024xf32, #tpu.memory_space<hbm>>
    tpu.enqueue_indirect_dma source(%dma_start3A_34 : memref<6144x1024xf32, #tpu.memory_space<hbm>>) target(%arg7 : memref<32x1024xf32, #tpu.memory_space<vmem>>) offsets(%dma_start3A_31 : memref<32xi32, #tpu.memory_space<vmem>>) semaphore(%arg9 : memref<!tpu.dma_semaphore, #tpu.memory_space<semaphore_mem>>)
    %dma_wait3A_35 = arith.constant 64 : i32
    %dma_wait3A_36 = tpu.memref_slice %arg5[%dma_wait3A_35] : memref<128xi32, #tpu.memory_space<vmem>> -> memref<32xi32, #tpu.memory_space<vmem>>
    %dma_wait3A_37 = arith.constant 0 : i32
    %dma_wait3A_38 = arith.constant 0 : i32
    %dma_wait3A_39 = tpu.memref_slice %arg2[%dma_wait3A_37, %dma_wait3A_38] : memref<6144x1024xf32, #tpu.memory_space<hbm>> -> memref<6144x1024xf32, #tpu.memory_space<hbm>>
    tpu.wait_indirect_dma semaphore(%arg8 : memref<!tpu.dma_semaphore, #tpu.memory_space<semaphore_mem>>) src(%dma_wait3A_39 : memref<6144x1024xf32, #tpu.memory_space<hbm>>) dst(%arg6 : memref<32x1024xf32, #tpu.memory_space<vmem>>)
    %add3A_40 = arith.constant 64 : i32
    %add3A_41 = arith.addi %mul3A_2, %add3A_40 : i32
    "tpu.region"() ({
      %run_scoped3A = tpu.sem_alloc : memref<!tpu.dma_semaphore, #tpu.memory_space<semaphore_mem>>
      %dma_start3A_49 = arith.constant 0 : i32
      %dma_start3A_50 = tpu.memref_slice %arg4[%add3A_41, %dma_start3A_49] : memref<4096x1024xf32, #tpu.memory_space<hbm>> -> memref<32x1024xf32, #tpu.memory_space<hbm>>
      %dma_start3A_51 = arith.constant 0 : i32
      %dma_start3A_52 = tpu.memref_slice %arg4[%add3A_41, %dma_start3A_51] : memref<4096x1024xf32, #tpu.memory_space<hbm>> -> memref<32x1024xf32, #tpu.memory_space<hbm>>
      tpu.enqueue_dma source(%arg6 : memref<32x1024xf32, #tpu.memory_space<vmem>>) target(%dma_start3A_52 : memref<32x1024xf32, #tpu.memory_space<hbm>>) target_semaphore(%run_scoped3A : memref<!tpu.dma_semaphore, #tpu.memory_space<semaphore_mem>>)
      %dma_wait3A_53 = arith.constant 0 : i32
      %dma_wait3A_54 = tpu.memref_slice %arg4[%add3A_41, %dma_wait3A_53] : memref<4096x1024xf32, #tpu.memory_space<hbm>> -> memref<32x1024xf32, #tpu.memory_space<hbm>>
      %dma_wait3A_55 = arith.constant 0 : i32
      %dma_wait3A_56 = tpu.memref_slice %arg4[%add3A_41, %dma_wait3A_55] : memref<4096x1024xf32, #tpu.memory_space<hbm>> -> memref<32x1024xf32, #tpu.memory_space<hbm>>
      tpu.wait_dma2 semaphore(%run_scoped3A : memref<!tpu.dma_semaphore, #tpu.memory_space<semaphore_mem>>) src(%arg6 : memref<32x1024xf32, #tpu.memory_space<vmem>>) dst(%dma_wait3A_56 : memref<32x1024xf32, #tpu.memory_space<hbm>>)
      tpu.yield
    }) : () -> ()
    %dma_wait3A_42 = arith.constant 96 : i32
    %dma_wait3A_43 = tpu.memref_slice %arg5[%dma_wait3A_42] : memref<128xi32, #tpu.memory_space<vmem>> -> memref<32xi32, #tpu.memory_space<vmem>>
    %dma_wait3A_44 = arith.constant 0 : i32
    %dma_wait3A_45 = arith.constant 0 : i32
    %dma_wait3A_46 = tpu.memref_slice %arg2[%dma_wait3A_44, %dma_wait3A_45] : memref<6144x1024xf32, #tpu.memory_space<hbm>> -> memref<6144x1024xf32, #tpu.memory_space<hbm>>
    tpu.wait_indirect_dma semaphore(%arg9 : memref<!tpu.dma_semaphore, #tpu.memory_space<semaphore_mem>>) src(%dma_wait3A_46 : memref<6144x1024xf32, #tpu.memory_space<hbm>>) dst(%arg7 : memref<32x1024xf32, #tpu.memory_space<vmem>>)
    %add3A_47 = arith.constant 96 : i32
    %add3A_48 = arith.addi %mul3A_2, %add3A_47 : i32
    "tpu.region"() ({
      %run_scoped3A = tpu.sem_alloc : memref<!tpu.dma_semaphore, #tpu.memory_space<semaphore_mem>>
      %dma_start3A_49 = arith.constant 0 : i32
      %dma_start3A_50 = tpu.memref_slice %arg4[%add3A_48, %dma_start3A_49] : memref<4096x1024xf32, #tpu.memory_space<hbm>> -> memref<32x1024xf32, #tpu.memory_space<hbm>>
      %dma_start3A_51 = arith.constant 0 : i32
      %dma_start3A_52 = tpu.memref_slice %arg4[%add3A_48, %dma_start3A_51] : memref<4096x1024xf32, #tpu.memory_space<hbm>> -> memref<32x1024xf32, #tpu.memory_space<hbm>>
      tpu.enqueue_dma source(%arg7 : memref<32x1024xf32, #tpu.memory_space<vmem>>) target(%dma_start3A_52 : memref<32x1024xf32, #tpu.memory_space<hbm>>) target_semaphore(%run_scoped3A : memref<!tpu.dma_semaphore, #tpu.memory_space<semaphore_mem>>)
      %dma_wait3A_53 = arith.constant 0 : i32
      %dma_wait3A_54 = tpu.memref_slice %arg4[%add3A_48, %dma_wait3A_53] : memref<4096x1024xf32, #tpu.memory_space<hbm>> -> memref<32x1024xf32, #tpu.memory_space<hbm>>
      %dma_wait3A_55 = arith.constant 0 : i32
      %dma_wait3A_56 = tpu.memref_slice %arg4[%add3A_48, %dma_wait3A_55] : memref<4096x1024xf32, #tpu.memory_space<hbm>> -> memref<32x1024xf32, #tpu.memory_space<hbm>>
      tpu.wait_dma2 semaphore(%run_scoped3A : memref<!tpu.dma_semaphore, #tpu.memory_space<semaphore_mem>>) src(%arg7 : memref<32x1024xf32, #tpu.memory_space<vmem>>) dst(%dma_wait3A_56 : memref<32x1024xf32, #tpu.memory_space<hbm>>)
      tpu.yield
    }) : () -> ()
    return
  }
}

module attributes {stable_mosaic.version = 14 : i64} {
  func.func @body(%arg0: i32, %arg1: memref<24xi32, #tpu.memory_space<smem>>, %arg2: memref<1xi32, #tpu.memory_space<smem>>, %arg3: memref<24xi32, #tpu.memory_space<smem>>, %arg4: memref<24xi32, #tpu.memory_space<smem>>, %arg5: memref<24xi32, #tpu.memory_space<smem>>, %arg6: memref<24xi32, #tpu.memory_space<smem>>, %arg7: memref<256x1024xf32, #tpu.memory_space<vmem>>, %arg8: memref<8x1024x1024xf32, #tpu.memory_space<any>>, %arg9: memref<1x1x1024xf32, #tpu.memory_space<vmem>>, %arg10: memref<256x1024xf32, #tpu.memory_space<vmem>>, %arg11: memref<2x1024x1024xf32, #tpu.memory_space<vmem>>, %arg12: memref<2x1024x1024xbf16, #tpu.memory_space<vmem>>, %arg13: memref<2x!tpu.dma_semaphore, #tpu.memory_space<semaphore_mem>>) attributes {dimension_semantics = [#tpu.dimension_semantics<arbitrary>], iteration_bounds = array<i64: 24>, scalar_prefetch = 6 : i64, scratch_operands = 3 : i64, tpu.core_type = #tpu.core_type<tc>, window_params = [{transform_indices = @transform_0, window_bounds = array<i64: 256, 1024>}, {}, {transform_indices = @transform_2, window_bounds = array<i64: 1, 1, 1024>}, {transform_indices = @transform_3, window_bounds = array<i64: 256, 1024>}]} {
    %get3A = arith.index_cast %arg0 : i32 to index
    %get3A_0 = memref.load %arg4[%get3A] : memref<24xi32, #tpu.memory_space<smem>>
    %eq3A = arith.constant 0 : i32
    %eq3A_1 = arith.cmpi eq, %arg0, %eq3A : i32
    %convert_element_type3A = arith.extui %eq3A_1 : i1 to i32
    %cond3A = arith.constant 0 : i32
    %cond3A_2 = arith.cmpi ne, %convert_element_type3A, %cond3A : i32
    scf.if %cond3A_2 {
      %get3A_26 = arith.constant 0 : index
      %get3A_27 = memref.load %arg1[%get3A_26] : memref<24xi32, #tpu.memory_space<smem>>
      %dma_start3A = arith.constant 0 : i32
      %dma_start3A_28 = arith.constant 0 : i32
      %dma_start3A_29 = tpu.memref_slice %arg13[%dma_start3A_28] : memref<2x!tpu.dma_semaphore, #tpu.memory_space<semaphore_mem>> -> memref<1x!tpu.dma_semaphore, #tpu.memory_space<semaphore_mem>>
      %dma_start3A_30 = tpu.memref_squeeze %dma_start3A_29 : memref<1x!tpu.dma_semaphore, #tpu.memory_space<semaphore_mem>> -> memref<!tpu.dma_semaphore, #tpu.memory_space<semaphore_mem>>
      %dma_start3A_31 = arith.constant 0 : i32
      %dma_start3A_32 = arith.constant 0 : i32
      %dma_start3A_33 = tpu.memref_slice %arg11[%dma_start3A, %dma_start3A_31, %dma_start3A_32] : memref<2x1024x1024xf32, #tpu.memory_space<vmem>> -> memref<1x1024x1024xf32, #tpu.memory_space<vmem>>
      %dma_start3A_34 = tpu.memref_squeeze %dma_start3A_33 : memref<1x1024x1024xf32, #tpu.memory_space<vmem>> -> memref<1024x1024xf32, #tpu.memory_space<vmem>>
      %dma_start3A_35 = arith.constant 0 : i32
      %dma_start3A_36 = arith.constant 0 : i32
      %dma_start3A_37 = tpu.memref_slice %arg8[%get3A_27, %dma_start3A_35, %dma_start3A_36] : memref<8x1024x1024xf32, #tpu.memory_space<any>> -> memref<1x1024x1024xf32, #tpu.memory_space<any>>
      %dma_start3A_38 = tpu.memref_squeeze %dma_start3A_37 : memref<1x1024x1024xf32, #tpu.memory_space<any>> -> memref<1024x1024xf32, #tpu.memory_space<any>>
      tpu.enqueue_dma source(%dma_start3A_38 : memref<1024x1024xf32, #tpu.memory_space<any>>) target(%dma_start3A_34 : memref<1024x1024xf32, #tpu.memory_space<vmem>>) target_semaphore(%dma_start3A_30 : memref<!tpu.dma_semaphore, #tpu.memory_space<semaphore_mem>>)
    } else {
    }
    %get3A_3 = arith.index_cast %arg0 : i32 to index
    %get3A_4 = memref.load %arg3[%get3A_3] : memref<24xi32, #tpu.memory_space<smem>>
    %eq3A_5 = arith.constant 1 : i32
    %eq3A_6 = arith.cmpi eq, %get3A_4, %eq3A_5 : i32
    %get3A_7 = arith.index_cast %arg0 : i32 to index
    %get3A_8 = memref.load %arg6[%get3A_7] : memref<24xi32, #tpu.memory_space<smem>>
    %eq3A_9 = arith.constant 1 : i32
    %eq3A_10 = arith.cmpi eq, %get3A_8, %eq3A_9 : i32
    %and3A = arith.andi %eq3A_6, %eq3A_10 : i1
    %convert_element_type3A_11 = arith.extui %and3A : i1 to i32
    %cond3A_12 = arith.constant 0 : i32
    %cond3A_13 = arith.cmpi ne, %convert_element_type3A_11, %cond3A_12 : i32
    scf.if %cond3A_13 {
      %get3A_26 = arith.index_cast %arg0 : i32 to index
      %get3A_27 = memref.load %arg5[%get3A_26] : memref<24xi32, #tpu.memory_space<smem>>
      %sub3A = arith.constant 1 : i32
      %sub3A_28 = arith.subi %sub3A, %get3A_0 : i32
      %sub3A_29 = arith.constant 1 : i32
      %sub3A_30 = arith.subi %sub3A_29, %get3A_0 : i32
      %dma_start3A = tpu.memref_slice %arg13[%sub3A_30] : memref<2x!tpu.dma_semaphore, #tpu.memory_space<semaphore_mem>> -> memref<1x!tpu.dma_semaphore, #tpu.memory_space<semaphore_mem>>
      %dma_start3A_31 = tpu.memref_squeeze %dma_start3A : memref<1x!tpu.dma_semaphore, #tpu.memory_space<semaphore_mem>> -> memref<!tpu.dma_semaphore, #tpu.memory_space<semaphore_mem>>
      %dma_start3A_32 = arith.constant 0 : i32
      %dma_start3A_33 = arith.constant 0 : i32
      %dma_start3A_34 = tpu.memref_slice %arg11[%sub3A_28, %dma_start3A_32, %dma_start3A_33] : memref<2x1024x1024xf32, #tpu.memory_space<vmem>> -> memref<1x1024x1024xf32, #tpu.memory_space<vmem>>
      %dma_start3A_35 = tpu.memref_squeeze %dma_start3A_34 : memref<1x1024x1024xf32, #tpu.memory_space<vmem>> -> memref<1024x1024xf32, #tpu.memory_space<vmem>>
      %dma_start3A_36 = arith.constant 0 : i32
      %dma_start3A_37 = arith.constant 0 : i32
      %dma_start3A_38 = tpu.memref_slice %arg8[%get3A_27, %dma_start3A_36, %dma_start3A_37] : memref<8x1024x1024xf32, #tpu.memory_space<any>> -> memref<1x1024x1024xf32, #tpu.memory_space<any>>
      %dma_start3A_39 = tpu.memref_squeeze %dma_start3A_38 : memref<1x1024x1024xf32, #tpu.memory_space<any>> -> memref<1024x1024xf32, #tpu.memory_space<any>>
      tpu.enqueue_dma source(%dma_start3A_39 : memref<1024x1024xf32, #tpu.memory_space<any>>) target(%dma_start3A_35 : memref<1024x1024xf32, #tpu.memory_space<vmem>>) target_semaphore(%dma_start3A_31 : memref<!tpu.dma_semaphore, #tpu.memory_space<semaphore_mem>>)
    } else {
    }
    %get3A_14 = arith.index_cast %arg0 : i32 to index
    %get3A_15 = memref.load %arg3[%get3A_14] : memref<24xi32, #tpu.memory_space<smem>>
    %eq3A_16 = arith.constant 1 : i32
    %eq3A_17 = arith.cmpi eq, %get3A_15, %eq3A_16 : i32
    %convert_element_type3A_18 = arith.extui %eq3A_17 : i1 to i32
    %cond3A_19 = arith.constant 0 : i32
    %cond3A_20 = arith.cmpi ne, %convert_element_type3A_18, %cond3A_19 : i32
    scf.if %cond3A_20 {
      %get3A_26 = arith.index_cast %arg0 : i32 to index
      %get3A_27 = memref.load %arg1[%get3A_26] : memref<24xi32, #tpu.memory_space<smem>>
      %dma_wait3A = tpu.memref_slice %arg13[%get3A_0] : memref<2x!tpu.dma_semaphore, #tpu.memory_space<semaphore_mem>> -> memref<1x!tpu.dma_semaphore, #tpu.memory_space<semaphore_mem>>
      %dma_wait3A_28 = tpu.memref_squeeze %dma_wait3A : memref<1x!tpu.dma_semaphore, #tpu.memory_space<semaphore_mem>> -> memref<!tpu.dma_semaphore, #tpu.memory_space<semaphore_mem>>
      %dma_wait3A_29 = arith.constant 0 : i32
      %dma_wait3A_30 = arith.constant 0 : i32
      %dma_wait3A_31 = tpu.memref_slice %arg11[%get3A_0, %dma_wait3A_29, %dma_wait3A_30] : memref<2x1024x1024xf32, #tpu.memory_space<vmem>> -> memref<1x1024x1024xf32, #tpu.memory_space<vmem>>
      %dma_wait3A_32 = tpu.memref_squeeze %dma_wait3A_31 : memref<1x1024x1024xf32, #tpu.memory_space<vmem>> -> memref<1024x1024xf32, #tpu.memory_space<vmem>>
      %dma_wait3A_33 = arith.constant 0 : i32
      %dma_wait3A_34 = arith.constant 0 : i32
      %dma_wait3A_35 = tpu.memref_slice %arg8[%get3A_27, %dma_wait3A_33, %dma_wait3A_34] : memref<8x1024x1024xf32, #tpu.memory_space<any>> -> memref<1x1024x1024xf32, #tpu.memory_space<any>>
      %dma_wait3A_36 = tpu.memref_squeeze %dma_wait3A_35 : memref<1x1024x1024xf32, #tpu.memory_space<any>> -> memref<1024x1024xf32, #tpu.memory_space<any>>
      tpu.wait_dma2 semaphore(%dma_wait3A_28 : memref<!tpu.dma_semaphore, #tpu.memory_space<semaphore_mem>>) src(%dma_wait3A_36 : memref<1024x1024xf32, #tpu.memory_space<any>>) dst(%dma_wait3A_32 : memref<1024x1024xf32, #tpu.memory_space<vmem>>)
      %get3A_37 = arith.index_cast %get3A_0 : i32 to index
      %get3A_38 = arith.constant 0 : index
      %get3A_39 = arith.constant 0 : index
      %get3A_40 = vector.load %arg11[%get3A_37, %get3A_38, %get3A_39] : memref<2x1024x1024xf32, #tpu.memory_space<vmem>>, vector<1x1024x1024xf32>
      %get3A_41 = vector.shape_cast %get3A_40 : vector<1x1024x1024xf32> to vector<1024x1024xf32>
      %convert_element_type3A_42 = arith.truncf %get3A_41 : vector<1024x1024xf32> to vector<1024x1024xbf16>
      %swap3A = arith.index_cast %get3A_0 : i32 to index
      %swap3A_43 = arith.constant 0 : index
      %swap3A_44 = arith.constant 0 : index
      %swap3A_45 = vector.load %arg12[%swap3A, %swap3A_43, %swap3A_44] : memref<2x1024x1024xbf16, #tpu.memory_space<vmem>>, vector<1x1024x1024xbf16>
      %swap3A_46 = vector.shape_cast %swap3A_45 : vector<1x1024x1024xbf16> to vector<1024x1024xbf16>
      %swap3A_47 = vector.shape_cast %convert_element_type3A_42 : vector<1024x1024xbf16> to vector<1x1024x1024xbf16>
      tpu.vector_store %arg12[%swap3A, %swap3A_43, %swap3A_44], %swap3A_47 {strides = array<i32>} : memref<2x1024x1024xbf16, #tpu.memory_space<vmem>>, vector<1x1024x1024xbf16>,
    } else {
    }
    %get3A_21 = arith.constant 0 : index
    %get3A_22 = memref.load %arg2[%get3A_21] : memref<1xi32, #tpu.memory_space<smem>>
    %lt3A = arith.cmpi slt, %arg0, %get3A_22 : i32
    %convert_element_type3A_23 = arith.extui %lt3A : i1 to i32
    %cond3A_24 = arith.constant 0 : i32
    %cond3A_25 = arith.cmpi ne, %convert_element_type3A_23, %cond3A_24 : i32
    scf.if %cond3A_25 {
      %get3A_26 = arith.constant 0 : index
      %get3A_27 = arith.constant 0 : index
      %get3A_28 = vector.load %arg7[%get3A_26, %get3A_27] : memref<256x1024xf32, #tpu.memory_space<vmem>>, vector<256x1024xf32>
      %convert_element_type3A_29 = arith.truncf %get3A_28 : vector<256x1024xf32> to vector<256x1024xbf16>
      %get3A_30 = arith.index_cast %get3A_0 : i32 to index
      %get3A_31 = arith.constant 0 : index
      %get3A_32 = arith.constant 0 : index
      %get3A_33 = vector.load %arg12[%get3A_30, %get3A_31, %get3A_32] : memref<2x1024x1024xbf16, #tpu.memory_space<vmem>>, vector<1x1024x1024xbf16>
      %get3A_34 = vector.shape_cast %get3A_33 : vector<1x1024x1024xbf16> to vector<1024x1024xbf16>
      %dot_general3A = arith.constant dense<0.000000e+00> : vector<256x1024xf32>
      %dot_general3A_35 = tpu.matmul %convert_element_type3A_29, %get3A_34, %dot_general3A {dimension_numbers = #tpu.dot_dimension_numbers<[1], [0], [0], [1], [0, 0, 1, 1], [], []>, transpose_lhs_hint = false} : vector<256x1024xbf16>, vector<1024x1024xbf16>, vector<256x1024xf32> -> vector<256x1024xf32>
      %get3A_36 = arith.constant 0 : index
      %get3A_37 = arith.constant 0 : index
      %get3A_38 = arith.constant 0 : index
      %get3A_39 = vector.load %arg9[%get3A_36, %get3A_37, %get3A_38] : memref<1x1x1024xf32, #tpu.memory_space<vmem>>, vector<1x1x1024xf32>
      %get3A_40 = vector.shape_cast %get3A_39 : vector<1x1x1024xf32> to vector<1x1024xf32>
      %add3A = vector.broadcast %get3A_40 : vector<1x1024xf32> to vector<256x1024xf32>
      %add3A_41 = arith.addf %dot_general3A_35, %add3A : vector<256x1024xf32>
      %swap3A = arith.constant 0 : index
      %swap3A_42 = arith.constant 0 : index
      %swap3A_43 = vector.load %arg10[%swap3A, %swap3A_42] : memref<256x1024xf32, #tpu.memory_space<vmem>>, vector<256x1024xf32>
      tpu.vector_store %arg10[%swap3A, %swap3A_42], %add3A_41 {strides = array<i32>} : memref<256x1024xf32, #tpu.memory_space<vmem>>, vector<256x1024xf32>,
    } else {
    }
    return
  }
  func.func @transform_0(%arg0: i32, %arg1: memref<24xi32, #tpu.memory_space<smem>>, %arg2: memref<1xi32, #tpu.memory_space<smem>>, %arg3: memref<24xi32, #tpu.memory_space<smem>>, %arg4: memref<24xi32, #tpu.memory_space<smem>>, %arg5: memref<24xi32, #tpu.memory_space<smem>>, %arg6: memref<24xi32, #tpu.memory_space<smem>>) -> (i32, i32) {
    %c0_i32 = arith.constant 0 : i32
    %c0_i32_0 = arith.constant 0 : i32
    return %arg0, %c0_i32 : i32, i32
  }
  func.func @transform_2(%arg0: i32, %arg1: memref<24xi32, #tpu.memory_space<smem>>, %arg2: memref<1xi32, #tpu.memory_space<smem>>, %arg3: memref<24xi32, #tpu.memory_space<smem>>, %arg4: memref<24xi32, #tpu.memory_space<smem>>, %arg5: memref<24xi32, #tpu.memory_space<smem>>, %arg6: memref<24xi32, #tpu.memory_space<smem>>) -> (i32, i32, i32) {
    %get3A = arith.index_cast %arg0 : i32 to index
    %get3A_0 = memref.load %arg1[%get3A] : memref<24xi32, #tpu.memory_space<smem>>
    %c0_i32 = arith.constant 0 : i32
    %c0_i32_1 = arith.constant 0 : i32
    %c0_i32_2 = arith.constant 0 : i32
    return %get3A_0, %c0_i32, %c0_i32_1 : i32, i32, i32
  }
  func.func @transform_3(%arg0: i32, %arg1: memref<24xi32, #tpu.memory_space<smem>>, %arg2: memref<1xi32, #tpu.memory_space<smem>>, %arg3: memref<24xi32, #tpu.memory_space<smem>>, %arg4: memref<24xi32, #tpu.memory_space<smem>>, %arg5: memref<24xi32, #tpu.memory_space<smem>>, %arg6: memref<24xi32, #tpu.memory_space<smem>>) -> (i32, i32) {
    %c0_i32 = arith.constant 0 : i32
    %c0_i32_0 = arith.constant 0 : i32
    return %arg0, %c0_i32 : i32, i32
  }
}

</mosaic_0001>

<sc_bundles>
// kernel: gather_offload_async_start
scs
__scs_entry_jumppad:
0x0: {  	(pc) =	sbr.rel $0x88, $3  }
0x1: {  	(tag) =	ssettag $0x0;
	lr =	simm.s32 $0x1  }
0x2: {  	[smem:$0x3F9C] =	sst lr;
	_ =	strace $0xD0000000  }
0x3: {  	_ = 	snop  }
0x4: {  	_ = 	snop  }
0x5: {  	_ = 	snop  }
0x6: {  	_ = 	snop  }
0x7: {  	_ = 	snop  }
__scs_overlays_trampoline_lowered:
0x8: {  	[smem:$0x3FAB] =	sst s0  }
0x9: {  	[smem:$0x3FAC] =	sst s1  }
0xa: {  	[smem:$0x3FAD] =	sst s2  }
0xb: {  	[smem:$0x3FAE] =	sst s3  }
0xc: {  	[smem:$0x3FAF] =	sst s4  }
0xd: {  	[smem:$0x3FB0] =	sst s5  }
0xe: {  	[smem:$0x3FB1] =	sst s6  }
0xf: {  	[smem:$0x3FB2] =	sst s7  }
0x10: {  	[smem:$0x3FB3] =	sst s8  }
0x11: {  	[smem:$0x3FB4] =	sst s9;
	s0 =	simm.s32 @!p0 $0x0  }
0x12: {  	s1 =	sld [smem:$0x3F9A];
	s0 =	simm.s32 @p0 $0x1  }
0x13: {  	[smem:$0x3FB5] =	sst s0;
	s0 =	simm.s32 @!p1 $0x0  }
0x14: {  	s2 =	sld [smem:$0x3F99];
	s0 =	simm.s32 @p1 $0x1  }
0x15: {  	[smem:$0x3FB6] =	sst s0;
	s0 =	simm.s32 @!p2 $0x0  }
0x16: {  	s3 =	sld [smem:$0x3FDB];
	s0 =	simm.s32 @p2 $0x1  }
0x17: {  	s4 =	simm.s32 $0x1BF5;
	[smem:$0x3FB8] =	sst s0  }
0x18: {  	s0 =	sld [smem:$0x3F9B];
	_ =	swait.ge [sflag:s4], $0x0  }
0x19: {  	s7 =	sld [smem:$0x3F9C]  }
0x1a: {  	s8 =	sadd.s32 $0xFFFFE003, lr  }
0x1b: {  	s9 =	sadd.s32 $0xFFFFFEF7, lr;
	s5 =	simm.s32 $0xFFFFFFFF;
	p2 =	slt.u32 s8, $0xFFFFF086  }
0x1c: {  	p1 =	slt.u32 s9, $0xF7A;
	s5 =	simm.s32 @!p2 $0x0  }
0x1d: {  	s5 =	simm.s32 @p1 $0x1;
	p0 =	seq.s32 s7, s2  }
0x1e: {  	s7 =	smul.u32 @!p0 $0xF7A, s2;
	p2 =	seq.s32 @!p0 s5, $0x0  }
0x1f: {  	s9 =	smul.u32 $0xF7A, s1;
	s8 =	simm.s32 @!p0 $0x1BF5;
	p2 =	por !p2, p0  }
0x20: {  	[sflag:s8] =	ssyncset.s32 @!p0 $0xFFFFF086;
	s6 =	sadd.s32 @!p0 s3, s7;
	s7 =	simm.s32 @!p0 $0x108  }
0x21: {  	s3 =	sadd.s32 s3, s9;
	s6 =	sadd.s32 @!p0 $0x88, s6;
	s7 =	simm.s32 @p2 $0x1082  }
0x22: {  	[simem:s7], [sflag:s8] =	dma.local @!p0 [hbm:s6], $0xF7A  }
0x23: {  	s9 =	sor.u32 $0xD0000000, s2;
	s6 =	simm.s32 $0x108;
	_ =	swait.ge @!p0 [sflag:s8], $0x0  }
0x24: {  	s3 =	sadd.s32 $0x88, s3;
	s6 =	simm.s32 @!p1 $0x1082;
	[sflag:s4] =	ssyncset.s32 $0xFFFFF086  }
0x25: {  	[simem:s6], [sflag:s4] =	dma.local [hbm:s3], $0xF7A  }
0x26: {  	[smem:$0x3F9C] =	sst s1;
	(tag) =	ssettag s2;
	_ =	strace s9  }
0x27: {  	s1 =	sld [smem:$0x3FAC]  }
0x28: {  	s2 =	sld [smem:$0x3FAD]  }
0x29: {  	s4 =	sld [smem:$0x3FAF]  }
0x2a: {  	p0 =	seq.s32 s5, $0x0;
	s5 =	sld [smem:$0x3FB0]  }
0x2b: {  	s6 =	sld [smem:$0x3FB1]  }
0x2c: {  	s7 =	sld [smem:$0x3FB2]  }
0x2d: {  	s3 =	simm.s32 $0x108;
	s8 =	sld [smem:$0x3FB3]  }
0x2e: {  	s3 =	simm.s32 @!p0 $0x1082;
	s9 =	sld [smem:$0x3FB4]  }
0x2f: {  	lr =	sadd.s32 s0, s3;
	s0 =	sld [smem:$0x3FAB]  }
0x30: {  	s3 =	sld [smem:$0x3FAE]  }
0x31: {  	[smem:$0x3FB7] =	sst s10  }
0x32: {  	s10 =	sld [smem:$0x3FB5];
	_ =	sdelay $0x3  }
0x33: {  	p0 =	seq.s32 s10, $0x1;
	s10 =	sld [smem:$0x3FB7];
	_ =	sdelay $0x3  }
0x34: {  	[smem:$0x3FB7] =	sst s10  }
0x35: {  	s10 =	sld [smem:$0x3FB6];
	_ =	sdelay $0x3  }
0x36: {  	p1 =	seq.s32 s10, $0x1;
	s10 =	sld [smem:$0x3FB7];
	_ =	sdelay $0x3  }
0x37: {  	[smem:$0x3FB7] =	sst s10  }
0x38: {  	s10 =	sld [smem:$0x3FB8]  }
0x39: {  	_ = 	snop;
	(pc) =	sbr.ind lr, $3  }
0x3a: {  	_ = 	snop  }
0x3b: {  	_ = 	snop  }
0x3c: {  	p2 =	seq.s32 s10, $0x1;
	s10 =	sld [smem:$0x3FB7]  }
0x3d: {  	_ =	shalt  }
0x3e: {  	_ =	shalt  }
0x3f: {  	_ =	shalt  }
0x40: {  	_ =	shalt  }
0x41: {  	_ =	shalt  }
0x42: {  	_ =	shalt  }
0x43: {  	_ =	shalt  }
0x44: {  	_ =	shalt  }
0x45: {  	_ =	shalt  }
0x46: {  	_ =	shalt  }
0x47: {  	_ =	shalt  }
0x48: {  	_ =	shalt  }
0x49: {  	_ =	shalt  }
0x4a: {  	_ =	shalt  }
0x4b: {  	_ =	shalt  }
0x4c: {  	_ =	shalt  }
0x4d: {  	_ =	shalt  }
0x4e: {  	_ =	shalt  }
0x4f: {  	_ =	shalt  }
0x50: {  	_ =	shalt  }
0x51: {  	_ =	shalt  }
0x52: {  	_ =	shalt  }
0x53: {  	_ =	shalt  }
0x54: {  	_ =	shalt  }
0x55: {  	_ =	shalt  }
0x56: {  	_ =	shalt  }
0x57: {  	_ =	shalt  }
0x58: {  	_ =	shalt  }
0x59: {  	_ =	shalt  }
0x5a: {  	_ =	shalt  }
0x5b: {  	_ =	shalt  }
0x5c: {  	_ =	shalt  }
0x5d: {  	_ =	shalt  }
0x5e: {  	_ =	shalt  }
0x5f: {  	_ =	shalt  }
0x60: {  	_ =	shalt  }
0x61: {  	_ =	shalt  }
0x62: {  	_ =	shalt  }
0x63: {  	_ =	shalt  }
0x64: {  	_ =	shalt  }
0x65: {  	_ =	shalt  }
0x66: {  	_ =	shalt  }
0x67: {  	_ =	shalt  }
0x68: {  	_ =	shalt  }
0x69: {  	_ =	shalt  }
0x6a: {  	_ =	shalt  }
0x6b: {  	_ =	shalt  }
0x6c: {  	_ =	shalt  }
0x6d: {  	_ =	shalt  }
0x6e: {  	_ =	shalt  }
0x6f: {  	_ =	shalt  }
0x70: {  	_ =	shalt  }
0x71: {  	_ =	shalt  }
0x72: {  	_ =	shalt  }
0x73: {  	_ =	shalt  }
0x74: {  	_ =	shalt  }
0x75: {  	_ =	shalt  }
0x76: {  	_ =	shalt  }
0x77: {  	_ =	shalt  }
0x78: {  	_ =	shalt  }
0x79: {  	_ =	shalt  }
0x7a: {  	_ =	shalt  }
0x7b: {  	_ =	shalt  }
0x7c: {  	_ =	shalt  }
0x7d: {  	_ =	shalt  }
0x7e: {  	_ =	shalt  }
0x7f: {  	_ =	shalt  }
0x80: {  	_ =	shalt  }
0x81: {  	_ =	shalt  }
0x82: {  	_ =	shalt  }
0x83: {  	_ =	shalt  }
0x84: {  	_ =	shalt  }
0x85: {  	_ =	shalt  }
0x86: {  	_ =	shalt  }
0x87: {  	_ =	shalt  }
.Lfunc_end0:
.L_simem_size_0:
called_computation_lowered:
.L_overlay_start_0:
0x88: {  	s2 =	sld [smem:$0x3FD9]  }
0x89: {  	s3 =	sld [smem:$0x3FFE];
	_ =	sdelay $0x1  }
0x8a: {  	s1 =	srdreg.scid  }
0x8b: {  	s0 =	sand.u32 $0x1, s1  }
0x8c: {  	s15 =	sshll.u32 s0, $0xA;
	s2 =	sadd.s32 s3, s2  }
0x8d: {  	s2 =	sadd.s32 s2, s15  }
0x8e: {  	[smem:$0x3FC3] =	sst s2  }
0x8f: {  	_ = 	snop  }
0x90: {  	s2 =	sld [smem:$0x3FD0];
	_ =	sdelay $0x2  }
0x91: {  	s16 =	simm.s32 $0xA;
	s4 =	simm.s32 $0x10  }
0x92: {  	[smem:s4], [sflag:s16] =	dma.local [hbm:s2], $0x1  }
0x93: {  	_ =	swait.eq [sflag:s16], $0x1  }
0x94: {  	s17 =	sld [smem:$0x10];
	[sflag:s16] =	ssyncset.done $0x0  }
0x95: {  	s18 =	sld [smem:$0x11];
	[sflag:s16] =	ssyncadd.s32 $0xFFFFFFFF  }
0x96: {  	s19 =	sld [smem:$0x12];
	(tm) =	ssettm $0x1  }
0x97: {  	s5 =	sld [smem:$0x3FFB];
	_ =	sdelay $0x3  }
0x98: {  	_ =	strace s5  }
0x99: {  	s5 =	sld [smem:$0x3FFC];
	_ =	sdelay $0x3  }
0x9a: {  	_ =	strace s5  }
0x9b: {  	s5 =	sld [smem:$0x3FFD];
	_ =	sdelay $0x3  }
0x9c: {  	_ =	strace s5  }
0x9d: {  	_ =	strace $0x8FFFFFFF  }
0x9e: {  	s20 =	sld [smem:$0x3FDB];
	_ =	sdelay $0x1  }
0x9f: {  	s6 =	simm.s32 $_scs_section_size  }
0xa0: {  	s7 =	simm.s32 $_size__tile_overlayer_lowered;
	s8 =	simm.s32 $_tile_overlayer_lowered  }
0xa1: {  	s23 =	simm.s32 $0x1BFF;
	s22 =	sshll.u32 s8, $0x1;
	s5 =	sadd.s32 s6, s20  }
0xa2: {  	s9 =	simm.s32 $0x0;
	s21 =	sshll.u32 s7, $0x1;
	s7 =	sadd.s32 s22, s5  }
0xa3: {  	[timem:s9], [sflag:s23] =	dma.local [hbm:s7], s21  }
0xa4: {  	_ =	swait.ge [sflag:s23], s21  }
0xa5: {  	s6 =	ssub.s32 $0x0, s21;
	[sflag:s23] =	ssyncset.done $0x0  }
0xa6: {  	[sflag:s23] =	ssyncadd.s32 s6;
	_ =	sdelay $0x1  }
0xa7: {  	s24 =	simm.s32 $0x1B8B  }
0xa8: {  	_ =	swait.ge [sflag:s24], $0x1  }
0xa9: {  	[sflag:s24] =	ssyncset.done $0x0  }
0xaa: {  	s25 =	simm.s32 $0x1B8E;
	[sflag:s24] =	ssyncadd.s32 $0xFFFFFFFF  }
0xab: {  	s26 =	simm.s32 $execute0_lowered;
	[smem:$0x3FD2] =	sst s25  }
0xac: {  	s6 =	sshll.u32 s26, $0x1;
	_ =	strace $0x80000046;
	[dreg:$0x1] =	wrdreg $0xFFFFFFFF  }
0xad: {  	s28 =	simm.s32 $_size_execute0_lowered;
	s5 =	sadd.s32 s5, s6;
	[dreg:$0x0] =	wrdreg $0x0  }
0xae: {  	s6 =	sshll.u32 s28, $0x1;
	[dreg:$0x2] =	wrdreg s5  }
0xaf: {  	[dreg:$0x3] =	wrdreg s6  }
0xb0: {  	[dreg:$0x4] =	wrdreg $0xC0  }
0xb1: {  	_ =	task [dreg:s9], $0x5FFFF  }
0xb2: {  	[dreg:$0x1] =	wrdreg $0xFFFFFFFF  }
0xb3: {  	[dreg:$0x0] =	wrdreg $0x60  }
0xb4: {  	[dreg:$0x2] =	wrdreg s17  }
0xb5: {  	[dreg:$0x3] =	wrdreg s19  }
0xb6: {  	[dreg:$0x4] =	wrdreg s18  }
0xb7: {  	[dreg:$0x5] =	wrdreg $0x9  }
0xb8: {  	_ =	task.clear_ibuf [dreg:s9], $0x6FFFF;
	_ =	strace $0x90000046  }
0xb9: {  	s29 =	simm.s32 $0x9;
	_ =	strace $0x80000048  }
0xba: {  	_ =	swait.ge [sflag:s29], $0x1  }
0xbb: {  	[sflag:s29] =	ssyncadd.s32 $0xFFFFFFFF  }
0xbc: {  	_ =	strace $0x90000048  }
0xbd: {  	_ =	sfence  }
0xbe: {  	s30 =	sld [smem:$0x0];
	_ =	sdelay $0x2  }
0xbf: {  	s31 =	sshll.u32 s1, $0xD;
	s1 =	sshrl.u32 s1, $0x2  }
0xc0: {  	s3 =	sand.u32 $0x4000, s31;
	s1 =	sadd.s32 s1, s30  }
0xc1: {  	s0 =	sor.u32 s3, s0;
	s1 =	sshll.u32 s1, $0x11  }
0xc2: {  	s0 =	sor.u32 s1, s0  }
0xc3: {  	s0 =	sadd.s32 $0x8F2B, s0  }
0xc4: {  	[sflag:s0] =	ssyncadd.remote.s32 $0x1  }
0xc5: {  	_ =	sfence.sel $0xFFFF  }
0xc6: {  	[dreg:$0x0] =	wrdreg $0xFFFFFFFF;
	(pc) =	sbr.abs _section_cstart, $3  }
0xc7: {  	[dreg:$0x1] =	wrdreg $0xFFFFFFFF  }
0xc8: {  	_ =	task.clear_ibuf [dreg:s9], $0x2FFFF;
	_ =	strace $0x9FFFFFFF  }
0xc9: {  	(tm) =	ssettm $0x7FFFFFFF  }
tec
execute0_lowered:
.L_overlay_start_1:
0x0: {  	(tag) =	ssettag $0x1  }
0x1: {  	s0 =	srdreg.scid  }
0x2: {  	s4 =	rddreg [dreg:$0x1];
	s1 =	sshll.u32 s0, $0x4  }
0x3: {  	s5 =	rddreg [dreg:$0x2];
	s0 =	stileid.u32;
	s1 =	sand.u32 $0x10, s1  }
0x4: {  	s7 =	simm.s32 $0x1;
	s8 =	simm.s32 $0x3;
	s2 =	sor.u32 s0, s1  }
0x5: {  	s10 =	simm.s32 $0x4;
	s1 =	sshll.u32 s1, $0x4;
	s3 =	smin.u32 s2, $0x10  }
0x6: {  	s11 =	simm.s32 $0x0;
	s1 =	sxor.u32 $0x100, s1;
	s3 =	sshll.u32 s3, $0x8  }
0x7: {  	s12 =	simm.s32 $0xFFFFFE00;
	s13 =	simm.s32 $0xFFFFFF00;
	s1 =	sadd.s32 s1, s3  }
0x8: {  	s14 =	simm.s32 $0xFFFFFFFF;
	s2 =	rddreg [dreg:$0x0];
	s6 =	smin.u32 s1, $0x1000  }
0x9: {  	s18 =	simm.s32 $0x0;
	s1 =	rddreg [dreg:$0x3];
	s9 =	ssub.s32 s6, s3  }
.Ltmp0:
0xa: {  	_ =	strace $0x80000047;
	p0 =	sgt.s32 s9, $0x0;
	(pc) =	sbr.rel .LBB2_1-.Ltmp0, $4  }
0xb: {  	[sflag:s7] =	ssyncpa.u1 $0x0;
	s7 =	simm.s32 $0x2;
	s9 =	simm.s32 @!p0 $0x0  }
0xc: {  	s15 =	simm.s32 $0x0;
	[sflag:s7] =	ssyncpa.u1 $0x0;
	s9 =	sadd.s32 $0xFF, s9  }
0xd: {  	s17 =	simm.s32 $0x0;
	[sflag:s8] =	ssyncpa.u1 $0x0;
	s9 =	sshrl.u32 s9, $0x8  }
0xe: {  	v0 =	vlaneseq.u32;
	vm0 =	vmmov $0xffff;
	s16 =	smov.u32 s3;
	[sflag:s10] =	ssyncpa.u1 $0x0;
	s10 =	sadd.s32 $0x2, s9  }
.LBB2_7:
0xf: {  	p0 =	slt.u32 s17, $0x3  }
0x10: {  	s18 =	simm.s32 @!p0 $0x4  }
0x11: {  	_ =	swait.ge @!p0 [sflag:s18], $0x80  }
0x12: {  	s19 =	sadd.s32 $0x100, s16;
	[sflag:s18] =	ssyncset.done @!p0 $0x0  }
0x13: {  	s20 =	smov.u32 s3;
	[sflag:s18] =	ssyncadd.s32 @!p0 $0xFFFFFF80;
	p0 =	slt.s32 s19, s6  }
0x14: {  	s20 =	smov.u32 @p0 s19;
	p0 =	sne.s32 s17, s10  }
.Ltmp1:
0x15: {  	_ = 	snop;
	(pc) =	sbr.rel @!p0 .LBB2_8-.Ltmp1, $4  }
0x16: {  	_ = 	snop  }
0x17: {  	s31 =	sadd.s32 $0x1, s17;
	s12 =	sadd.s32 $0x200, s12  }
0x18: {  	s13 =	sadd.s32 $0x100, s13;
	s14 =	sadd.s32 $0x1, s14;
	s18 =	smov.u32 s15  }
0x19: {  	s15 =	smov.u32 s16;
	s17 =	smov.u32 s31;
	s16 =	smov.u32 s20  }
.LBB2_1:
0x1a: {  	p0 =	sge.u32 s17, s9  }
0x1b: {  	s19 =	smulhi.u32 @!p0 $0xAAAAAAAB, s17;
	_ =	sdelay $0x1  }
0x1c: {  	s19 =	sshrl.u32 @!p0 s19, $0x1  }
0x1d: {  	s19 =	smul.u32 @!p0 $0x3, s19;
	_ =	sdelay $0x1  }
0x1e: {  	s31 =	sadd.s32 $0xFFFFFFFF, s17;
	s20 =	sshrl.u32 @!p0 s16, $0x3;
	s19 =	ssub.s32 @!p0 s17, s19  }
0x1f: {  	s21 =	sand.u32 @!p0 $0x7, s16;
	s20 =	sadd.s32 @!p0 s4, s20;
	s19 =	sshll.u32 @!p0 s19, $0x8  }
0x20: {  	[tilespmem:s19], [sflag:$0x2] =	stream.linear.gather @!p0 [hbm4b:s20+s21], $0x100, $0x38;
	[tilespmem:$0x600] =	vst v63  }
0x21: {  	p0 =	sge.u32 s31, s9  }
.Ltmp2:
0x22: {  	_ = 	snop;
	(pc) =	sbr.rel @p0 .LBB2_5-.Ltmp2, $1  }
0x23: {  	_ =	sdelay $0x3  }
0x24: {  	s19 =	smulhi.u32 $0xAAAAAAAB, s14;
	_ =	sdelay $0x1  }
0x25: {  	s19 =	sshrl.u32 s19, $0x1  }
0x26: {  	s19 =	smul.u32 $0xFFFFF400, s19;
	_ =	sdelay $0x1  }
0x27: {  	_ =	swait.ge [sflag:s7], $0x100;
	s19 =	sshra.s32 s19, $0x2  }
0x28: {  	[sflag:s7] =	ssyncset.done $0x0;
	s21 =	sadd.s32 s19, s13  }
0x29: {  	[sflag:s7] =	ssyncadd.s32 $0xFFFFFF00;
	(ifvalue) =	ssetifvalue $0x7FFFFFFF;
	v1 =	vld.msk [tilespmem:s21+$0x0 ss:$0x1], $0xffff;
	_ =	sdelay $0x4  }
0x2a: {  	s22 =	ssub.s32 $0x1000, s15;
	vm1 =	veq.s32 v1, $0x80000000;
	v2 =	vand.u32 $0xFFF, v1;
	v1 =	vshrl.u32 v1, $0xC  }
0x2b: {  	p0 =	slt.s32 s22, $0x100;
	s19 =	sadd.s32 $0x10, s21;
	v3 =	vsel vm1, $0xFFFFFFFF, v2;
	v1 =	vand.u32 $0x7, v1  }
0x2c: {  	s22 =	simm.s32 @!p0 $0x100;
	v6 =	vld.msk [tilespmem:s19+$0x0 ss:$0x1], $0xffff;
	v1 =	vsel vm1, $0xFFFFFFFF, v1;
	v2 =	vshll.u32 v3, $0x7  }
0x2d: {  	p0 =	sgt.s32 s22, $0x0;
	s20 =	smov.u32 s22;
	v4 =	vand.u32 $0xFFFFFC00, v2;
	v5 =	vand.u32 $0xFFFFFC00, v1  }
0x2e: {  	s20 =	simm.s32 @!p0 $0x0;
	v2 =	vand.u32 $0x300, v2;
	v1 =	vshll.u32 v1, $0x1;
	v4 =	vadd.s32 v5, v4  }
0x2f: {  	s20 =	smin.u32 s20, $0x10;
	v1 =	vand.u32 $0xFE, v1;
	v2 =	vor.u32 v2, v4  }
0x30: {  	v4 =	vmov s20;
	v1 =	vor.u32 v1, v2  }
0x31: {  	v5 =	vshrl.u32 v6, $0xC;
	vm1 =	vgt.u32 v4, v0;
	v1 =	vshrl.u32 v1, $0x1  }
0x32: {  	s20 =	sadd.s32 $0x10, s19;
	v4 =	vnsel vm1, $0x7FFFFFFF, v1;
	vm1 =	veq.s32 v6, $0x80000000;
	v1 =	vand.u32 $0xFFF, v6  }
0x33: {  	s22 =	sadd.s32 $0xFFFFFFF0, s22;
	v5 =	vand.u32 $0x7, v5;
	v2 =	vld.msk [tilespmem:s20+$0x0 ss:$0x1], $0xffff;
	v1 =	vsel vm1, $0xFFFFFFFF, v1  }
0x34: {  	s23 =	sshrl.u32 s12, $0x1;
	p0 =	sgt.s32 s22, $0x0;
	s24 =	smov.u32 s22;
	v3 =	vand.u32 $0x1, v3;
	v5 =	vsel vm1, $0xFFFFFFFF, v5;
	v63 =	vshll.u32 v1, $0x7  }
0x35: {  	s23 =	sand.u32 $0x100, s23;
	s24 =	simm.s32 @!p0 $0x0;
	[tilespmem:s21+$0x0] =	vst v3;
	v7 =	vand.u32 $0xFFFFFC00, v5;
	v3 =	vand.u32 $0xFFFFFC00, v63  }
0x36: {  	s31 =	smin.u32 s24, $0x10;
	s21 =	sadd.s32 $0x300, s23;
	(ifvalue) =	ssetifvalue $0x7FFFFFFF;
	v5 =	vshll.u32 v5, $0x1;
	v6 =	vand.u32 $0x300, v63;
	v3 =	vadd.s32 v7, v3  }
0x37: {  	v5 =	vand.u32 $0xFE, v5;
	[tilespmem:s21], [sflag:$0x3] =	stream.indirect_vreg.gather [hbm4b:s2+s11], $0x1, v4, vm0, $0x4038;
	v4 =	vmov s31;
	v3 =	vor.u32 v6, v3;
	[tilespmem:$0x600] =	vst v63  }
0x38: {  	s23 =	simm.s32 $0x20;
	s24 =	sadd.s32 $0x10, s20;
	vm2 =	veq.s32 v2, $0x80000000;
	vm1 =	vgt.u32 v4, v0;
	v3 =	vor.u32 v5, v3  }
.LBB2_3:
0x39: {  	s25 =	smov.u32 s19  }
0x3a: {  	v4 =	vand.u32 $0xFFF, v2;
	v5 =	vshrl.u32 v2, $0xC;
	v2 =	vld.msk [tilespmem:s24+$0x0 ss:$0x1], $0xffff;
	v3 =	vshrl.u32 v3, $0x1;
	s19 =	smov.u32 s20;
	s20 =	smov.u32 s24;
	s23 =	sadd.s32 $0x10, s23  }
0x3b: {  	s22 =	sadd.s32 $0xFFFFFFF0, s22;
	v4 =	vsel vm2, $0xFFFFFFFF, v4;
	v5 =	vand.u32 $0x7, v5;
	v6 =	vnsel vm1, $0x7FFFFFFF, v3;
	p0 =	slt.u32 s23, $0xF0  }
.Ltmp3:
0x3c: {  	p1 =	sgt.s32 s22, $0x0;
	s26 =	smov.u32 s22;
	v3 =	vsel vm2, $0xFFFFFFFF, v5;
	v5 =	vshll.u32 v4, $0x7;
	(pc) =	sbr.rel @p0 .LBB2_3-.Ltmp3, $4  }
0x3d: {  	v9 =	vand.u32 $0x1, v1;
	s26 =	simm.s32 @!p1 $0x0;
	v1 =	vmovc v4;
	v7 =	vand.u32 $0xFFFFFC00, v5;
	v8 =	vand.u32 $0xFFFFFC00, v3  }
0x3e: {  	s26 =	smin.u32 s26, $0x10;
	v5 =	vand.u32 $0x300, v5;
	v3 =	vshll.u32 v3, $0x1;
	v4 =	vadd.s32 v8, v7  }
0x3f: {  	s24 =	sadd.s32 $0x10, s24;
	s21 =	sadd.s32 $0x10, s21;
	v7 =	vmov s26;
	v3 =	vand.u32 $0xFE, v3;
	v4 =	vor.u32 v5, v4;
	[tilespmem:s25+$0x0] =	vst v9;
	(ifvalue) =	ssetifvalue $0x7FFFFFFF  }
0x40: {  	vm2 =	veq.s32 v2, $0x80000000;
	vm1 =	vgt.u32 v7, v0;
	v3 =	vor.u32 v3, v4;
	[tilespmem:s21], [sflag:$0x3] =	stream.indirect_vreg.gather [hbm4b:s2+s11], $0x1, v6, vm0, $0x4038;
	[tilespmem:$0x600] =	vst v63  }
0x41: {  	v4 =	vand.u32 $0xFFF, v2;
	v2 =	vshrl.u32 v2, $0xC  }
0x42: {  	v4 =	vsel vm2, $0xFFFFFFFF, v4;
	v2 =	vand.u32 $0x7, v2  }
0x43: {  	s22 =	sadd.s32 $0xFFFFFFF0, s22;
	v2 =	vsel vm2, $0xFFFFFFFF, v2;
	v5 =	vshll.u32 v4, $0x7  }
0x44: {  	p0 =	sgt.s32 s22, $0x0;
	v6 =	vand.u32 $0xFFFFFC00, v5;
	v7 =	vand.u32 $0xFFFFFC00, v2  }
0x45: {  	s22 =	simm.s32 @!p0 $0x0;
	v5 =	vand.u32 $0x300, v5;
	v2 =	vshll.u32 v2, $0x1;
	v6 =	vadd.s32 v7, v6  }
0x46: {  	v3 =	vshrl.u32 v3, $0x1;
	s22 =	smin.u32 s22, $0x10;
	v2 =	vand.u32 $0xFE, v2;
	v5 =	vor.u32 v5, v6  }
0x47: {  	v3 =	vnsel vm1, $0x7FFFFFFF, v3;
	v63 =	vmov s22;
	v2 =	vor.u32 v2, v5  }
0x48: {  	vm1 =	vgt.u32 v63, v0;
	v2 =	vshrl.u32 v2, $0x1  }
0x49: {  	v2 =	vnsel vm1, $0x7FFFFFFF, v2  }
0x4a: {  	v1 =	vand.u32 $0x1, v1  }
0x4b: {  	s31 =	sadd.s32 $0x10, s21;
	[tilespmem:s19+$0x0] =	vst v1;
	(ifvalue) =	ssetifvalue $0x7FFFFFFF  }
0x4c: {  	v1 =	vand.u32 $0x1, v4;
	[tilespmem:s31], [sflag:$0x3] =	stream.indirect_vreg.gather [hbm4b:s2+s11], $0x1, v3, vm0, $0x4038;
	[tilespmem:$0x600] =	vst v63  }
0x4d: {  	s19 =	sadd.s32 $0x10, s31;
	[tilespmem:s20+$0x0] =	vst v1;
	(ifvalue) =	ssetifvalue $0x7FFFFFFF  }
0x4e: {  	[tilespmem:s19], [sflag:$0x3] =	stream.indirect_vreg.gather [hbm4b:s2+s11], $0x1, v2, vm0, $0x4038;
	[tilespmem:$0x600] =	vst v63  }
.LBB2_5:
0x4f: {  	p0 =	slt.u32 s17, $0x2  }
0x50: {  	p1 =	sge.u32 @!p0 s17, s10  }
0x51: {  	p0 =	por p0, p1  }
.Ltmp4:
0x52: {  	_ = 	snop;
	(pc) =	sbr.rel @p0 .LBB2_7-.Ltmp4, $1  }
0x53: {  	_ =	sdelay $0x3  }
0x54: {  	s19 =	sadd.s32 $0xFFFFFFFE, s17  }
0x55: {  	s20 =	smulhi.u32 $0xAAAAAAAB, s19;
	_ =	sdelay $0x1  }
0x56: {  	s20 =	sshrl.u32 s20, $0x1  }
0x57: {  	_ =	swait.ge [sflag:s8], $0x100;
	s20 =	smul.u32 $0x3, s20  }
0x58: {  	s22 =	sand.u32 $0x1, s17;
	[sflag:s8] =	ssyncset.done $0x0  }
0x59: {  	s26 =	sshll.u32 s22, $0x8;
	[sflag:s8] =	ssyncadd.s32 $0xFFFFFF00;
	s20 =	ssub.s32 s19, s20  }
0x5a: {  	v1 =	vld [tilespmem:s26+$0x300];
	s21 =	sshll.u32 s20, $0x8  }
0x5b: {  	v2 =	vld [tilespmem:s21+$0x0]  }
0x5c: {  	v3 =	vld [tilespmem:s21+$0x80]  }
0x5d: {  	v4 =	vld [tilespmem:s26+$0x380];
	_ =	sdelay $0x3  }
0x5e: {  	v2 =	vshll.u32 v2, $0x4;
	v3 =	vshll.u32 v3, $0x4  }
0x5f: {  	v1 =	vshrl.u32 v1, v2;
	v2 =	vshrl.u32 v4, v3  }
0x60: {  	v1 =	vand.u32 $0xFFFF, v1;
	v2 =	vshll.u32 v2, $0x10  }
0x61: {  	s28 =	sshll.u32 s22, $0x7;
	v1 =	vor.u32 v1, v2  }
0x62: {  	[tilespmem:s28+$0x500] =	vst v1  }
0x63: {  	v1 =	vld [tilespmem:s26+$0x310]  }
0x64: {  	v2 =	vld [tilespmem:s21+$0x10]  }
0x65: {  	v3 =	vld [tilespmem:s21+$0x90]  }
0x66: {  	v57 =	vld [tilespmem:s26+$0x390];
	_ =	sdelay $0x3  }
0x67: {  	v2 =	vshll.u32 v2, $0x4;
	v3 =	vshll.u32 v3, $0x4  }
0x68: {  	v1 =	vshrl.u32 v1, v2;
	v2 =	vshrl.u32 v57, v3  }
0x69: {  	v1 =	vand.u32 $0xFFFF, v1;
	v2 =	vshll.u32 v2, $0x10  }
0x6a: {  	v1 =	vor.u32 v1, v2  }
0x6b: {  	[tilespmem:s28+$0x510] =	vst v1  }
0x6c: {  	v1 =	vld [tilespmem:s26+$0x320]  }
0x6d: {  	v2 =	vld [tilespmem:s21+$0x20]  }
0x6e: {  	v3 =	vld [tilespmem:s21+$0xA0]  }
0x6f: {  	v58 =	vld [tilespmem:s26+$0x3A0];
	_ =	sdelay $0x3  }
0x70: {  	v2 =	vshll.u32 v2, $0x4;
	v3 =	vshll.u32 v3, $0x4  }
0x71: {  	v1 =	vshrl.u32 v1, v2;
	v2 =	vshrl.u32 v58, v3  }
0x72: {  	v1 =	vand.u32 $0xFFFF, v1;
	v2 =	vshll.u32 v2, $0x10  }
0x73: {  	v1 =	vor.u32 v1, v2  }
0x74: {  	[tilespmem:s28+$0x520] =	vst v1  }
0x75: {  	v1 =	vld [tilespmem:s26+$0x330]  }
0x76: {  	v2 =	vld [tilespmem:s21+$0x30]  }
0x77: {  	v3 =	vld [tilespmem:s21+$0xB0]  }
0x78: {  	v59 =	vld [tilespmem:s26+$0x3B0];
	_ =	sdelay $0x3  }
0x79: {  	v2 =	vshll.u32 v2, $0x4;
	v3 =	vshll.u32 v3, $0x4  }
0x7a: {  	v1 =	vshrl.u32 v1, v2;
	v2 =	vshrl.u32 v59, v3  }
0x7b: {  	v1 =	vand.u32 $0xFFFF, v1;
	v2 =	vshll.u32 v2, $0x10  }
0x7c: {  	v1 =	vor.u32 v1, v2  }
0x7d: {  	[tilespmem:s28+$0x530] =	vst v1  }
0x7e: {  	v1 =	vld [tilespmem:s26+$0x340]  }
0x7f: {  	v2 =	vld [tilespmem:s21+$0x40]  }
0x80: {  	v3 =	vld [tilespmem:s21+$0xC0]  }
0x81: {  	v60 =	vld [tilespmem:s26+$0x3C0];
	_ =	sdelay $0x3  }
0x82: {  	v2 =	vshll.u32 v2, $0x4;
	v3 =	vshll.u32 v3, $0x4  }
0x83: {  	v1 =	vshrl.u32 v1, v2;
	v2 =	vshrl.u32 v60, v3  }
0x84: {  	v1 =	vand.u32 $0xFFFF, v1;
	v2 =	vshll.u32 v2, $0x10  }
0x85: {  	v1 =	vor.u32 v1, v2  }
0x86: {  	[tilespmem:s28+$0x540] =	vst v1  }
0x87: {  	v1 =	vld [tilespmem:s26+$0x350]  }
0x88: {  	v2 =	vld [tilespmem:s21+$0x50]  }
0x89: {  	v3 =	vld [tilespmem:s21+$0xD0]  }
0x8a: {  	v61 =	vld [tilespmem:s26+$0x3D0];
	_ =	sdelay $0x3  }
0x8b: {  	v2 =	vshll.u32 v2, $0x4;
	v3 =	vshll.u32 v3, $0x4  }
0x8c: {  	v1 =	vshrl.u32 v1, v2;
	v2 =	vshrl.u32 v61, v3  }
0x8d: {  	v1 =	vand.u32 $0xFFFF, v1;
	v2 =	vshll.u32 v2, $0x10  }
0x8e: {  	v1 =	vor.u32 v1, v2  }
0x8f: {  	[tilespmem:s28+$0x550] =	vst v1  }
0x90: {  	v1 =	vld [tilespmem:s26+$0x360]  }
0x91: {  	v2 =	vld [tilespmem:s21+$0x60]  }
0x92: {  	v3 =	vld [tilespmem:s21+$0xE0]  }
0x93: {  	v62 =	vld [tilespmem:s26+$0x3E0];
	_ =	sdelay $0x3  }
0x94: {  	v2 =	vshll.u32 v2, $0x4;
	v3 =	vshll.u32 v3, $0x4  }
0x95: {  	v1 =	vshrl.u32 v1, v2;
	v2 =	vshrl.u32 v62, v3  }
0x96: {  	v1 =	vand.u32 $0xFFFF, v1;
	v2 =	vshll.u32 v2, $0x10  }
0x97: {  	v1 =	vor.u32 v1, v2  }
0x98: {  	[tilespmem:s28+$0x560] =	vst v1  }
0x99: {  	v1 =	vld [tilespmem:s26+$0x370]  }
0x9a: {  	v2 =	vld [tilespmem:s21+$0x70]  }
0x9b: {  	v3 =	vld [tilespmem:s21+$0xF0]  }
0x9c: {  	v63 =	vld [tilespmem:s26+$0x3F0];
	_ =	sdelay $0x3  }
0x9d: {  	v2 =	vshll.u32 v2, $0x4;
	v3 =	vshll.u32 v3, $0x4  }
.Ltmp5:
0x9e: {  	v1 =	vshrl.u32 v1, v2;
	v2 =	vshrl.u32 v63, v3;
	(pc) =	sbr.rel .LBB2_7-.Ltmp5, $4  }
0x9f: {  	v1 =	vand.u32 $0xFFFF, v1;
	v2 =	vshll.u32 v2, $0x10  }
0xa0: {  	s29 =	sshrl.u32 s18, $0x1;
	s30 =	sshrl.u32 s18, $0x4;
	v1 =	vor.u32 v1, v2  }
0xa1: {  	s18 =	sadd.s32 s5, s30;
	s31 =	sor.u32 $0x500, s28;
	s19 =	sand.u32 $0x7, s29;
	[tilespmem:s28+$0x570] =	vst v1  }
0xa2: {  	[hbm4b:s18+s19] =	stream.linear.scatter [tilespmem:s31], [sflag:$0x4], $0x80, $0x38;
	[tilespmem:$0x600] =	vst v63  }
.LBB2_8:
0xa3: {  	_ =	sfence.sel $0x180000  }
0xa4: {  	s2 =	simm.s32 $0x2;
	[bflag:$0x0] =	sbarrier.arrive $0xFFFF  }
0xa5: {  	s29 =	simm.s32 $0x3;
	[sflag:s2] =	ssyncpa.u1 $0x1  }
0xa6: {  	s30 =	simm.s32 $0x4;
	[sflag:s29] =	ssyncpa.u1 $0x1  }
0xa7: {  	s31 =	simm.s32 $0x1;
	[sflag:s30] =	ssyncpa.u1 $0x1  }
0xa8: {  	[sflag:s31] =	ssyncpa.u1 $0x1  }
0xa9: {  	p0 =	sne.s32 s0, $0x0;
	_ =	strace $0x90000047  }
0xaa: {  	s0 =	sadd.s32 @!p0 $0x100000, s1;
	[bflag:$0x2] =	sbarrier.arrive $0xFFFF  }
0xab: {  	[sflag:s0] =	ssyncadd.tile.s32 @!p0 $0x1;
	_ =	shalt  }
.Lfunc_end2:
_tile_overlayer_lowered:
.L_overlay_start_2:
0xac: {  	(tag) =	ssettag $0x2  }
0xad: {  	s0 =	rddreg [dreg:$0x0];
	s2 =	stileid.u32  }
0xae: {  	s1 =	rddreg [dreg:$0x1];
	p0 =	sne.s32 s2, $0x0  }
0xaf: {  	s3 =	rddreg [dreg:$0x2];
	[bflag:$0x3] =	sbarrier.arrive $0xFFFF;
	s2 =	simm.s32 @!p0 $0x1C01  }
0xb0: {  	[timem:s3], [sflag:s2] =	dma.local @!p0 [hbm:s0], s1  }
0xb1: {  	s0 =	simm.s32 @!p0 $0x1  }
0xb2: {  	_ =	swait.ge @!p0 [sflag:s0], s1  }
0xb3: {  	s1 =	ssub.s32 @!p0 $0x0, s1;
	[sflag:s0] =	ssyncset.done @!p0 $0x0  }
0xb4: {  	[sflag:s0] =	ssyncadd.s32 @!p0 s1  }
0xb5: {  	[bflag:$0x3] =	sbarrier.arrive $0xFFFF  }
0xb6: {  	_ =	shalt  }

// kernel: kernel.5.cloned.1.call-start
scs
__scs_entry_jumppad:
0x0: {  	(pc) =	sbr.rel $0x88, $3  }
0x1: {  	(tag) =	ssettag $0x0;
	lr =	simm.s32 $0x1  }
0x2: {  	[smem:$0x3F9C] =	sst lr;
	_ =	strace $0xD0000000  }
0x3: {  	_ = 	snop  }
0x4: {  	_ = 	snop  }
0x5: {  	_ = 	snop  }
0x6: {  	_ = 	snop  }
0x7: {  	_ = 	snop  }
__scs_overlays_trampoline_lowered:
0x8: {  	[smem:$0x3FAB] =	sst s0  }
0x9: {  	[smem:$0x3FAC] =	sst s1  }
0xa: {  	[smem:$0x3FAD] =	sst s2  }
0xb: {  	[smem:$0x3FAE] =	sst s3  }
0xc: {  	[smem:$0x3FAF] =	sst s4  }
0xd: {  	[smem:$0x3FB0] =	sst s5  }
0xe: {  	[smem:$0x3FB1] =	sst s6  }
0xf: {  	[smem:$0x3FB2] =	sst s7  }
0x10: {  	[smem:$0x3FB3] =	sst s8  }
0x11: {  	[smem:$0x3FB4] =	sst s9;
	s0 =	simm.s32 @!p0 $0x0  }
0x12: {  	s1 =	sld [smem:$0x3F9A];
	s0 =	simm.s32 @p0 $0x1  }
0x13: {  	[smem:$0x3FB5] =	sst s0;
	s0 =	simm.s32 @!p1 $0x0  }
0x14: {  	s2 =	sld [smem:$0x3F99];
	s0 =	simm.s32 @p1 $0x1  }
0x15: {  	[smem:$0x3FB6] =	sst s0;
	s0 =	simm.s32 @!p2 $0x0  }
0x16: {  	s3 =	sld [smem:$0x3FDB];
	s0 =	simm.s32 @p2 $0x1  }
0x17: {  	s4 =	simm.s32 $0x1BF5;
	[smem:$0x3FB8] =	sst s0  }
0x18: {  	s0 =	sld [smem:$0x3F9B];
	_ =	swait.ge [sflag:s4], $0x0  }
0x19: {  	s7 =	sld [smem:$0x3F9C]  }
0x1a: {  	s8 =	sadd.s32 $0xFFFFE003, lr  }
0x1b: {  	s9 =	sadd.s32 $0xFFFFFEF7, lr;
	s5 =	simm.s32 $0xFFFFFFFF;
	p2 =	slt.u32 s8, $0xFFFFF086  }
0x1c: {  	p1 =	slt.u32 s9, $0xF7A;
	s5 =	simm.s32 @!p2 $0x0  }
0x1d: {  	s5 =	simm.s32 @p1 $0x1;
	p0 =	seq.s32 s7, s2  }
0x1e: {  	s7 =	smul.u32 @!p0 $0xF7A, s2;
	p2 =	seq.s32 @!p0 s5, $0x0  }
0x1f: {  	s9 =	smul.u32 $0xF7A, s1;
	s8 =	simm.s32 @!p0 $0x1BF5;
	p2 =	por !p2, p0  }
0x20: {  	[sflag:s8] =	ssyncset.s32 @!p0 $0xFFFFF086;
	s6 =	sadd.s32 @!p0 s3, s7;
	s7 =	simm.s32 @!p0 $0x108  }
0x21: {  	s3 =	sadd.s32 s3, s9;
	s6 =	sadd.s32 @!p0 $0x88, s6;
	s7 =	simm.s32 @p2 $0x1082  }
0x22: {  	[simem:s7], [sflag:s8] =	dma.local @!p0 [hbm:s6], $0xF7A  }
0x23: {  	s9 =	sor.u32 $0xD0000000, s2;
	s6 =	simm.s32 $0x108;
	_ =	swait.ge @!p0 [sflag:s8], $0x0  }
0x24: {  	s3 =	sadd.s32 $0x88, s3;
	s6 =	simm.s32 @!p1 $0x1082;
	[sflag:s4] =	ssyncset.s32 $0xFFFFF086  }
0x25: {  	[simem:s6], [sflag:s4] =	dma.local [hbm:s3], $0xF7A  }
0x26: {  	[smem:$0x3F9C] =	sst s1;
	(tag) =	ssettag s2;
	_ =	strace s9  }
0x27: {  	s1 =	sld [smem:$0x3FAC]  }
0x28: {  	s2 =	sld [smem:$0x3FAD]  }
0x29: {  	s4 =	sld [smem:$0x3FAF]  }
0x2a: {  	p0 =	seq.s32 s5, $0x0;
	s5 =	sld [smem:$0x3FB0]  }
0x2b: {  	s6 =	sld [smem:$0x3FB1]  }
0x2c: {  	s7 =	sld [smem:$0x3FB2]  }
0x2d: {  	s3 =	simm.s32 $0x108;
	s8 =	sld [smem:$0x3FB3]  }
0x2e: {  	s3 =	simm.s32 @!p0 $0x1082;
	s9 =	sld [smem:$0x3FB4]  }
0x2f: {  	lr =	sadd.s32 s0, s3;
	s0 =	sld [smem:$0x3FAB]  }
0x30: {  	s3 =	sld [smem:$0x3FAE]  }
0x31: {  	[smem:$0x3FB7] =	sst s10  }
0x32: {  	s10 =	sld [smem:$0x3FB5];
	_ =	sdelay $0x3  }
0x33: {  	p0 =	seq.s32 s10, $0x1;
	s10 =	sld [smem:$0x3FB7];
	_ =	sdelay $0x3  }
0x34: {  	[smem:$0x3FB7] =	sst s10  }
0x35: {  	s10 =	sld [smem:$0x3FB6];
	_ =	sdelay $0x3  }
0x36: {  	p1 =	seq.s32 s10, $0x1;
	s10 =	sld [smem:$0x3FB7];
	_ =	sdelay $0x3  }
0x37: {  	[smem:$0x3FB7] =	sst s10  }
0x38: {  	s10 =	sld [smem:$0x3FB8]  }
0x39: {  	_ = 	snop;
	(pc) =	sbr.ind lr, $3  }
0x3a: {  	_ = 	snop  }
0x3b: {  	_ = 	snop  }
0x3c: {  	p2 =	seq.s32 s10, $0x1;
	s10 =	sld [smem:$0x3FB7]  }
0x3d: {  	_ =	shalt  }
0x3e: {  	_ =	shalt  }
0x3f: {  	_ =	shalt  }
0x40: {  	_ =	shalt  }
0x41: {  	_ =	shalt  }
0x42: {  	_ =	shalt  }
0x43: {  	_ =	shalt  }
0x44: {  	_ =	shalt  }
0x45: {  	_ =	shalt  }
0x46: {  	_ =	shalt  }
0x47: {  	_ =	shalt  }
0x48: {  	_ =	shalt  }
0x49: {  	_ =	shalt  }
0x4a: {  	_ =	shalt  }
0x4b: {  	_ =	shalt  }
0x4c: {  	_ =	shalt  }
0x4d: {  	_ =	shalt  }
0x4e: {  	_ =	shalt  }
0x4f: {  	_ =	shalt  }
0x50: {  	_ =	shalt  }
0x51: {  	_ =	shalt  }
0x52: {  	_ =	shalt  }
0x53: {  	_ =	shalt  }
0x54: {  	_ =	shalt  }
0x55: {  	_ =	shalt  }
0x56: {  	_ =	shalt  }
0x57: {  	_ =	shalt  }
0x58: {  	_ =	shalt  }
0x59: {  	_ =	shalt  }
0x5a: {  	_ =	shalt  }
0x5b: {  	_ =	shalt  }
0x5c: {  	_ =	shalt  }
0x5d: {  	_ =	shalt  }
0x5e: {  	_ =	shalt  }
0x5f: {  	_ =	shalt  }
0x60: {  	_ =	shalt  }
0x61: {  	_ =	shalt  }
0x62: {  	_ =	shalt  }
0x63: {  	_ =	shalt  }
0x64: {  	_ =	shalt  }
0x65: {  	_ =	shalt  }
0x66: {  	_ =	shalt  }
0x67: {  	_ =	shalt  }
0x68: {  	_ =	shalt  }
0x69: {  	_ =	shalt  }
0x6a: {  	_ =	shalt  }
0x6b: {  	_ =	shalt  }
0x6c: {  	_ =	shalt  }
0x6d: {  	_ =	shalt  }
0x6e: {  	_ =	shalt  }
0x6f: {  	_ =	shalt  }
0x70: {  	_ =	shalt  }
0x71: {  	_ =	shalt  }
0x72: {  	_ =	shalt  }
0x73: {  	_ =	shalt  }
0x74: {  	_ =	shalt  }
0x75: {  	_ =	shalt  }
0x76: {  	_ =	shalt  }
0x77: {  	_ =	shalt  }
0x78: {  	_ =	shalt  }
0x79: {  	_ =	shalt  }
0x7a: {  	_ =	shalt  }
0x7b: {  	_ =	shalt  }
0x7c: {  	_ =	shalt  }
0x7d: {  	_ =	shalt  }
0x7e: {  	_ =	shalt  }
0x7f: {  	_ =	shalt  }
0x80: {  	_ =	shalt  }
0x81: {  	_ =	shalt  }
0x82: {  	_ =	shalt  }
0x83: {  	_ =	shalt  }
0x84: {  	_ =	shalt  }
0x85: {  	_ =	shalt  }
0x86: {  	_ =	shalt  }
0x87: {  	_ =	shalt  }
.Lfunc_end0:
.L_simem_size_0:
called_computation.1_lowered:
.L_overlay_start_0:
0x88: {  	s2 =	sld [smem:$0x3FD9]  }
0x89: {  	s3 =	sld [smem:$0x3FFE];
	_ =	sdelay $0x1  }
0x8a: {  	s1 =	srdreg.scid  }
0x8b: {  	s0 =	sand.u32 $0x1, s1  }
0x8c: {  	s17 =	sshll.u32 s0, $0xA;
	s2 =	sadd.s32 s3, s2  }
0x8d: {  	s2 =	sadd.s32 s2, s17  }
0x8e: {  	[smem:$0x3FC3] =	sst s2  }
0x8f: {  	_ = 	snop  }
0x90: {  	s2 =	sld [smem:$0x3FC9];
	(tm) =	ssettm $0x1  }
0x91: {  	s18 =	sld [smem:$0x3FFB];
	_ =	sdelay $0x3  }
0x92: {  	_ =	strace s18  }
0x93: {  	s3 =	sld [smem:$0x3FFC];
	_ =	sdelay $0x3  }
0x94: {  	_ =	strace s3  }
0x95: {  	s3 =	sld [smem:$0x3FFD];
	_ =	sdelay $0x3  }
0x96: {  	_ =	strace s3  }
0x97: {  	_ =	strace $0x8FFFFFFF  }
0x98: {  	s19 =	sld [smem:$0x3FDB];
	_ =	sdelay $0x1  }
0x99: {  	s4 =	simm.s32 $_scs_section_size  }
0x9a: {  	s5 =	simm.s32 $_size__tile_overlayer_lowered;
	s6 =	simm.s32 $_tile_overlayer_lowered  }
0x9b: {  	s22 =	simm.s32 $0x1BFF;
	s21 =	sshll.u32 s6, $0x1;
	s3 =	sadd.s32 s4, s19  }
0x9c: {  	s7 =	simm.s32 $0x0;
	s20 =	sshll.u32 s5, $0x1;
	s5 =	sadd.s32 s21, s3  }
0x9d: {  	[timem:s7], [sflag:s22] =	dma.local [hbm:s5], s20  }
0x9e: {  	_ =	swait.ge [sflag:s22], s20  }
0x9f: {  	s4 =	ssub.s32 $0x0, s20;
	[sflag:s22] =	ssyncset.done $0x0  }
0xa0: {  	[sflag:s22] =	ssyncadd.s32 s4;
	_ =	sdelay $0x1  }
0xa1: {  	s23 =	simm.s32 $0x1B8B  }
0xa2: {  	_ =	swait.ge [sflag:s23], $0x1  }
0xa3: {  	[sflag:s23] =	ssyncset.done $0x0  }
0xa4: {  	s25 =	simm.s32 $0x1B8E;
	s24 =	sld [smem:$0x3FFE];
	[sflag:s23] =	ssyncadd.s32 $0xFFFFFFFF  }
0xa5: {  	s26 =	simm.s32 $execute0_lowered;
	[smem:$0x3FD2] =	sst s25  }
0xa6: {  	s5 =	sshll.u32 s26, $0x1;
	_ =	strace $0x80000049;
	[dreg:$0x1] =	wrdreg $0xFFFFFFFF  }
0xa7: {  	s28 =	simm.s32 $_size_execute0_lowered;
	s3 =	sadd.s32 s3, s5;
	[dreg:$0x0] =	wrdreg $0x0  }
0xa8: {  	s5 =	sshll.u32 s28, $0x1;
	[dreg:$0x2] =	wrdreg s3  }
0xa9: {  	[dreg:$0x3] =	wrdreg s5  }
0xaa: {  	[dreg:$0x4] =	wrdreg $0xC0  }
0xab: {  	_ =	task [dreg:s7], $0x5FFFF  }
0xac: {  	[dreg:$0x1] =	wrdreg $0xFFFFFFFF  }
0xad: {  	[dreg:$0x0] =	wrdreg $0x60  }
0xae: {  	[dreg:$0x2] =	wrdreg s2  }
0xaf: {  	[dreg:$0x3] =	wrdreg s24  }
0xb0: {  	[dreg:$0x4] =	wrdreg $0x9  }
0xb1: {  	_ =	task.clear_ibuf [dreg:s7], $0x5FFFF;
	_ =	strace $0x90000049  }
0xb2: {  	s29 =	simm.s32 $0x9;
	_ =	strace $0x8000004B  }
0xb3: {  	_ =	swait.ge [sflag:s29], $0x1  }
0xb4: {  	[sflag:s29] =	ssyncadd.s32 $0xFFFFFFFF  }
0xb5: {  	_ =	strace $0x9000004B  }
0xb6: {  	_ =	sfence  }
0xb7: {  	s30 =	sld [smem:$0x0];
	_ =	sdelay $0x2  }
0xb8: {  	s31 =	sshll.u32 s1, $0xD;
	s1 =	sshrl.u32 s1, $0x2  }
0xb9: {  	s3 =	sand.u32 $0x4000, s31;
	s1 =	sadd.s32 s1, s30  }
0xba: {  	s0 =	sor.u32 s3, s0;
	s1 =	sshll.u32 s1, $0x11  }
0xbb: {  	s0 =	sor.u32 s1, s0  }
0xbc: {  	s0 =	sadd.s32 $0x8F2B, s0  }
0xbd: {  	[sflag:s0] =	ssyncadd.remote.s32 $0x1  }
0xbe: {  	_ =	sfence.sel $0xFFFF  }
0xbf: {  	[dreg:$0x0] =	wrdreg $0xFFFFFFFF;
	(pc) =	sbr.abs _section_cstart, $3  }
0xc0: {  	[dreg:$0x1] =	wrdreg $0xFFFFFFFF  }
0xc1: {  	_ =	task.clear_ibuf [dreg:s7], $0x2FFFF;
	_ =	strace $0x9FFFFFFF  }
0xc2: {  	(tm) =	ssettm $0x7FFFFFFF  }
0xc3: {  	_ =	shalt  }
tec
execute0_lowered:
.L_overlay_start_1:
0x0: {  	(tag) =	ssettag $0x1  }
0x1: {  	s0 =	srdreg.scid  }
0x2: {  	s1 =	stileid.u32;
	s2 =	rddreg [dreg:$0x0]  }
0x3: {  	s4 =	rddreg [dreg:$0x1];
	s3 =	simm.s32 $0x0;
	s9 =	simm.s32 $0x3  }
0x4: {  	s19 =	simm.s32 $0x1;
	s20 =	simm.s32 $0x2;
	s28 =	simm.s32 $0x2900  }
0x5: {  	s29 =	simm.s32 $0x3100;
	s30 =	simm.s32 $0x3900;
	s31 =	simm.s32 $0x4100  }
0x6: {  	s10 =	simm.s32 $0x5100;
	s11 =	simm.s32 $0x6100;
	s12 =	simm.s32 $0x6900  }
0x7: {  	s13 =	simm.s32 $0x7100;
	s14 =	simm.s32 $0x7900;
	s15 =	simm.s32 $0x8900  }
0x8: {  	s16 =	simm.s32 $0x9100;
	s0 =	sand.u32 $0x1, s0;
	s1 =	sshll.u32 s1, $0x1  }
0x9: {  	s17 =	simm.s32 $0x9900;
	s18 =	simm.s32 $0xA100;
	s1 =	sor.u32 s0, s1  }
0xa: {  	[smem:$0x7FF] =	sst s3;
	s0 =	ssub.s32 $0x2, s0;
	s5 =	smul.u32 $0x18, s1  }
0xb: {  	s7 =	sadd.s32 $0x400, s4;
	s6 =	smul.u32 $0x6000, s1;
	s24 =	sshrl.u32 s0, $0x1  }
0xc: {  	_ =	strace $0x8000004A;
	s1 =	smul.u32 $0x30000, s1;
	s0 =	ssub.s32 s0, s24  }
0xd: {  	s24 =	simm.s32 $0x1900;
	s4 =	sadd.s32 s4, s5;
	s21 =	sadd.s32 s7, s6  }
0xe: {  	s1 =	sshrl.u32 s1, $0x3;
	s5 =	sadd.s32 $0x100, s2;
	[dreg:$0x3] =	wrdreg s4  }
0xf: {  	[dreg:$0x9] =	wrdreg s21;
	s22 =	sadd.s32 $0x1000, s21;
	s1 =	sadd.s32 s7, s1  }
0x10: {  	s6 =	sadd.s32 $0x200, s2;
	[dreg:$0x4] =	wrdreg s22;
	s23 =	sadd.s32 $0x2000, s1  }
0x11: {  	s8 =	smax.u32 s0, $0x1;
	s25 =	sadd.s32 $0x3000, s1;
	[dreg:$0x5] =	wrdreg s23  }
0x12: {  	s0 =	simm.s32 $0x8100;
	s26 =	sadd.s32 $0x4000, s1;
	[dreg:$0x6] =	wrdreg s25  }
0x13: {  	v2 =	vlaneseq.u32;
	s7 =	sadd.s32 $0x300, s2;
	s1 =	sadd.s32 $0x5000, s1;
	[dreg:$0x7] =	wrdreg s26  }
0x14: {  	vm0 =	vmmov $0xffff;
	v1 =	vshrl.u32 v2, $0x3;
	s4 =	simm.s32 $0x5900;
	s22 =	simm.s32 $0x900;
	[dreg:$0x8] =	wrdreg s1  }
0x15: {  	v0 =	vand.u32 $0x7, v2;
	v2 =	vor.u32 $0x8, v2;
	v1 =	vmul.u32 $0x8, v1;
	s26 =	simm.s32 $0x100;
	s23 =	simm.s32 $0x1100;
	s25 =	simm.s32 $0x2100  }
.LBB2_1:
0x16: {  	s21 =	rddreg [dreg:$0x3]  }
0x17: {  	[tilespmem:s3], [sflag:$0x3] =	stream.linear.gather [hbm4b:s21+s3], $0xC0, $0x38;
	[tilespmem:$0x10100] =	vst v63  }
0x18: {  	_ =	swait.ge [sflag:s9], $0xC0  }
0x19: {  	[sflag:s9] =	ssyncset.done $0x0  }
0x1a: {  	[sflag:s9] =	ssyncadd.s32 $0xFFFFFF40  }
0x1b: {  	v3 =	vld [tilespmem:$0x0];
	_ =	sdelay $0x4  }
0x1c: {  	v4 =	vshll.u32 v3, $0x3  }
0x1d: {  	v3 =	vand.u32 $0x7, v3;
	v4 =	vand.u32 $0xFFFFFFC0, v4  }
0x1e: {  	v3 =	vor.u32 v3, v4  }
0x1f: {  	v4 =	vperm.xlane v3, v0;
	_ =	sdelay $0x1  }
0x20: {  	v4 =	vadd.s32 v1, v4;
	_ =	sdelay $0x4  }
0x21: {  	[tilespmem:s26], [sflag:$0x1] =	stream.indirect_vreg.gather [hbm4b:s2+s3], $0x80, v4, vm0, $0xb8;
	[tilespmem:$0x10100] =	vst v63  }
0x22: {  	v3 =	vperm.xlane v3, v2  }
0x23: {  	[tilespmem:s22], [sflag:$0x1] =	stream.indirect_vreg.gather [hbm4b:s5+s3], $0x80, v4, vm0, $0xb8;
	[tilespmem:$0x10100] =	vst v63  }
0x24: {  	v3 =	vadd.s32 v1, v3  }
0x25: {  	[tilespmem:s23], [sflag:$0x1] =	stream.indirect_vreg.gather [hbm4b:s6+s3], $0x80, v4, vm0, $0xb8;
	[tilespmem:$0x10100] =	vst v63  }
0x26: {  	_ = 	snop  }
0x27: {  	[tilespmem:s24], [sflag:$0x1] =	stream.indirect_vreg.gather [hbm4b:s7+s3], $0x80, v4, vm0, $0xb8;
	[tilespmem:$0x10100] =	vst v63  }
0x28: {  	_ = 	snop  }
0x29: {  	[tilespmem:s25], [sflag:$0x1] =	stream.indirect_vreg.gather [hbm4b:s2+s3], $0x80, v3, vm0, $0xb8;
	[tilespmem:$0x10100] =	vst v63  }
0x2a: {  	_ = 	snop  }
0x2b: {  	[tilespmem:s28], [sflag:$0x1] =	stream.indirect_vreg.gather [hbm4b:s5+s3], $0x80, v3, vm0, $0xb8;
	[tilespmem:$0x10100] =	vst v63  }
0x2c: {  	_ = 	snop  }
0x2d: {  	[tilespmem:s29], [sflag:$0x1] =	stream.indirect_vreg.gather [hbm4b:s6+s3], $0x80, v3, vm0, $0xb8;
	[tilespmem:$0x10100] =	vst v63  }
0x2e: {  	_ = 	snop  }
0x2f: {  	[tilespmem:s30], [sflag:$0x1] =	stream.indirect_vreg.gather [hbm4b:s7+s3], $0x80, v3, vm0, $0xb8;
	[tilespmem:$0x10100] =	vst v63  }
0x30: {  	v3 =	vld [tilespmem:$0x10];
	_ =	sdelay $0x4  }
0x31: {  	v53 =	vshll.u32 v3, $0x3  }
0x32: {  	v3 =	vand.u32 $0x7, v3;
	v4 =	vand.u32 $0xFFFFFFC0, v53  }
0x33: {  	v3 =	vor.u32 v3, v4  }
0x34: {  	v4 =	vperm.xlane v3, v0;
	_ =	sdelay $0x1  }
0x35: {  	v4 =	vadd.s32 v1, v4;
	_ =	sdelay $0x4  }
0x36: {  	[tilespmem:s31], [sflag:$0x1] =	stream.indirect_vreg.gather [hbm4b:s2+s3], $0x80, v4, vm0, $0xb8;
	[tilespmem:$0x10100] =	vst v63  }
0x37: {  	s1 =	simm.s32 $0x4900;
	v3 =	vperm.xlane v3, v2  }
0x38: {  	[tilespmem:s1], [sflag:$0x1] =	stream.indirect_vreg.gather [hbm4b:s5+s3], $0x80, v4, vm0, $0xb8;
	[tilespmem:$0x10100] =	vst v63  }
0x39: {  	v3 =	vadd.s32 v1, v3  }
0x3a: {  	[tilespmem:s10], [sflag:$0x1] =	stream.indirect_vreg.gather [hbm4b:s6+s3], $0x80, v4, vm0, $0xb8;
	[tilespmem:$0x10100] =	vst v63  }
0x3b: {  	_ = 	snop  }
0x3c: {  	[tilespmem:s4], [sflag:$0x1] =	stream.indirect_vreg.gather [hbm4b:s7+s3], $0x80, v4, vm0, $0xb8;
	[tilespmem:$0x10100] =	vst v63  }
0x3d: {  	_ = 	snop  }
0x3e: {  	[tilespmem:s11], [sflag:$0x1] =	stream.indirect_vreg.gather [hbm4b:s2+s3], $0x80, v3, vm0, $0xb8;
	[tilespmem:$0x10100] =	vst v63  }
0x3f: {  	_ = 	snop  }
0x40: {  	[tilespmem:s12], [sflag:$0x1] =	stream.indirect_vreg.gather [hbm4b:s5+s3], $0x80, v3, vm0, $0xb8;
	[tilespmem:$0x10100] =	vst v63  }
0x41: {  	_ = 	snop  }
0x42: {  	[tilespmem:s13], [sflag:$0x1] =	stream.indirect_vreg.gather [hbm4b:s6+s3], $0x80, v3, vm0, $0xb8;
	[tilespmem:$0x10100] =	vst v63  }
0x43: {  	_ = 	snop  }
0x44: {  	[tilespmem:s14], [sflag:$0x1] =	stream.indirect_vreg.gather [hbm4b:s7+s3], $0x80, v3, vm0, $0xb8;
	[tilespmem:$0x10100] =	vst v63  }
0x45: {  	v3 =	vld [tilespmem:$0x20];
	_ =	sdelay $0x4  }
0x46: {  	v54 =	vshll.u32 v3, $0x3  }
0x47: {  	v3 =	vand.u32 $0x7, v3;
	v4 =	vand.u32 $0xFFFFFFC0, v54  }
0x48: {  	v3 =	vor.u32 v3, v4  }
0x49: {  	v4 =	vperm.xlane v3, v0;
	_ =	sdelay $0x1  }
0x4a: {  	v4 =	vadd.s32 v1, v4;
	_ =	sdelay $0x4  }
0x4b: {  	[tilespmem:s0], [sflag:$0x2] =	stream.indirect_vreg.gather [hbm4b:s2+s3], $0x80, v4, vm0, $0xb8;
	[tilespmem:$0x10100] =	vst v63  }
0x4c: {  	v3 =	vperm.xlane v3, v2  }
0x4d: {  	[tilespmem:s15], [sflag:$0x2] =	stream.indirect_vreg.gather [hbm4b:s5+s3], $0x80, v4, vm0, $0xb8;
	[tilespmem:$0x10100] =	vst v63  }
0x4e: {  	v3 =	vadd.s32 v1, v3  }
0x4f: {  	[tilespmem:s16], [sflag:$0x2] =	stream.indirect_vreg.gather [hbm4b:s6+s3], $0x80, v4, vm0, $0xb8;
	[tilespmem:$0x10100] =	vst v63  }
0x50: {  	_ = 	snop  }
0x51: {  	[tilespmem:s17], [sflag:$0x2] =	stream.indirect_vreg.gather [hbm4b:s7+s3], $0x80, v4, vm0, $0xb8;
	[tilespmem:$0x10100] =	vst v63  }
0x52: {  	_ = 	snop  }
0x53: {  	[tilespmem:s18], [sflag:$0x2] =	stream.indirect_vreg.gather [hbm4b:s2+s3], $0x80, v3, vm0, $0xb8;
	[tilespmem:$0x10100] =	vst v63  }
0x54: {  	s21 =	simm.s32 $0xA900  }
0x55: {  	[tilespmem:s21], [sflag:$0x2] =	stream.indirect_vreg.gather [hbm4b:s5+s3], $0x80, v3, vm0, $0xb8;
	[tilespmem:$0x10100] =	vst v63  }
0x56: {  	s21 =	simm.s32 $0xB100  }
0x57: {  	[tilespmem:s21], [sflag:$0x2] =	stream.indirect_vreg.gather [hbm4b:s6+s3], $0x80, v3, vm0, $0xb8;
	[tilespmem:$0x10100] =	vst v63  }
0x58: {  	s21 =	simm.s32 $0xB900  }
0x59: {  	[tilespmem:s21], [sflag:$0x2] =	stream.indirect_vreg.gather [hbm4b:s7+s3], $0x80, v3, vm0, $0xb8;
	[tilespmem:$0x10100] =	vst v63  }
0x5a: {  	v3 =	vld [tilespmem:$0x30];
	_ =	sdelay $0x4  }
0x5b: {  	v55 =	vshll.u32 v3, $0x3  }
0x5c: {  	v3 =	vand.u32 $0x7, v3;
	v4 =	vand.u32 $0xFFFFFFC0, v55  }
0x5d: {  	v3 =	vor.u32 v3, v4  }
0x5e: {  	v4 =	vperm.xlane v3, v0;
	_ =	sdelay $0x1  }
0x5f: {  	v4 =	vadd.s32 v1, v4;
	_ =	sdelay $0x3  }
0x60: {  	s21 =	simm.s32 $0xC100  }
0x61: {  	[tilespmem:s21], [sflag:$0x2] =	stream.indirect_vreg.gather [hbm4b:s2+s3], $0x80, v4, vm0, $0xb8;
	[tilespmem:$0x10100] =	vst v63  }
0x62: {  	v3 =	vperm.xlane v3, v2;
	s21 =	simm.s32 $0xC900  }
0x63: {  	[tilespmem:s21], [sflag:$0x2] =	stream.indirect_vreg.gather [hbm4b:s5+s3], $0x80, v4, vm0, $0xb8;
	[tilespmem:$0x10100] =	vst v63  }
0x64: {  	v3 =	vadd.s32 v1, v3;
	s21 =	simm.s32 $0xD100  }
0x65: {  	[tilespmem:s21], [sflag:$0x2] =	stream.indirect_vreg.gather [hbm4b:s6+s3], $0x80, v4, vm0, $0xb8;
	[tilespmem:$0x10100] =	vst v63  }
0x66: {  	s21 =	simm.s32 $0xD900  }
0x67: {  	[tilespmem:s21], [sflag:$0x2] =	stream.indirect_vreg.gather [hbm4b:s7+s3], $0x80, v4, vm0, $0xb8;
	[tilespmem:$0x10100] =	vst v63  }
0x68: {  	s21 =	simm.s32 $0xE100  }
0x69: {  	[tilespmem:s21], [sflag:$0x2] =	stream.indirect_vreg.gather [hbm4b:s2+s3], $0x80, v3, vm0, $0xb8;
	[tilespmem:$0x10100] =	vst v63  }
0x6a: {  	s21 =	simm.s32 $0xE900  }
0x6b: {  	[tilespmem:s21], [sflag:$0x2] =	stream.indirect_vreg.gather [hbm4b:s5+s3], $0x80, v3, vm0, $0xb8;
	[tilespmem:$0x10100] =	vst v63  }
0x6c: {  	s21 =	simm.s32 $0xF100  }
0x6d: {  	[tilespmem:s21], [sflag:$0x2] =	stream.indirect_vreg.gather [hbm4b:s6+s3], $0x80, v3, vm0, $0xb8;
	[tilespmem:$0x10100] =	vst v63  }
0x6e: {  	s21 =	simm.s32 $0xF900  }
0x6f: {  	[tilespmem:s21], [sflag:$0x2] =	stream.indirect_vreg.gather [hbm4b:s7+s3], $0x80, v3, vm0, $0xb8;
	[tilespmem:$0x10100] =	vst v63  }
0x70: {  	_ =	swait.ge [sflag:s19], $0x8000  }
0x71: {  	[sflag:s19] =	ssyncset.done $0x0  }
0x72: {  	s21 =	rddreg [dreg:$0x9];
	[sflag:s19] =	ssyncadd.s32 $0xFFFF8000  }
0x73: {  	[hbm4b:s21+s3] =	stream.linear.scatter [tilespmem:s26], [sflag:$0x3], $0x8000, $0x38;
	[tilespmem:$0x10100] =	vst v63  }
0x74: {  	_ =	swait.ge [sflag:s9], $0x8000  }
0x75: {  	[sflag:s9] =	ssyncset.done $0x0  }
0x76: {  	[sflag:s9] =	ssyncadd.s32 $0xFFFF8000  }
0x77: {  	v3 =	vld [tilespmem:$0x40];
	_ =	sdelay $0x4  }
0x78: {  	v56 =	vshll.u32 v3, $0x3  }
0x79: {  	v3 =	vand.u32 $0x7, v3;
	v4 =	vand.u32 $0xFFFFFFC0, v56  }
0x7a: {  	v3 =	vor.u32 v3, v4  }
0x7b: {  	v4 =	vperm.xlane v3, v0;
	_ =	sdelay $0x1  }
0x7c: {  	v4 =	vadd.s32 v1, v4;
	_ =	sdelay $0x4  }
0x7d: {  	[tilespmem:s26], [sflag:$0x1] =	stream.indirect_vreg.gather [hbm4b:s2+s3], $0x80, v4, vm0, $0xb8;
	[tilespmem:$0x10100] =	vst v63  }
0x7e: {  	v3 =	vperm.xlane v3, v2  }
0x7f: {  	[tilespmem:s22], [sflag:$0x1] =	stream.indirect_vreg.gather [hbm4b:s5+s3], $0x80, v4, vm0, $0xb8;
	[tilespmem:$0x10100] =	vst v63  }
0x80: {  	v3 =	vadd.s32 v1, v3  }
0x81: {  	[tilespmem:s23], [sflag:$0x1] =	stream.indirect_vreg.gather [hbm4b:s6+s3], $0x80, v4, vm0, $0xb8;
	[tilespmem:$0x10100] =	vst v63  }
0x82: {  	_ = 	snop  }
0x83: {  	[tilespmem:s24], [sflag:$0x1] =	stream.indirect_vreg.gather [hbm4b:s7+s3], $0x80, v4, vm0, $0xb8;
	[tilespmem:$0x10100] =	vst v63  }
0x84: {  	_ = 	snop  }
0x85: {  	[tilespmem:s25], [sflag:$0x1] =	stream.indirect_vreg.gather [hbm4b:s2+s3], $0x80, v3, vm0, $0xb8;
	[tilespmem:$0x10100] =	vst v63  }
0x86: {  	_ = 	snop  }
0x87: {  	[tilespmem:s28], [sflag:$0x1] =	stream.indirect_vreg.gather [hbm4b:s5+s3], $0x80, v3, vm0, $0xb8;
	[tilespmem:$0x10100] =	vst v63  }
0x88: {  	_ = 	snop  }
0x89: {  	[tilespmem:s29], [sflag:$0x1] =	stream.indirect_vreg.gather [hbm4b:s6+s3], $0x80, v3, vm0, $0xb8;
	[tilespmem:$0x10100] =	vst v63  }
0x8a: {  	_ = 	snop  }
0x8b: {  	[tilespmem:s30], [sflag:$0x1] =	stream.indirect_vreg.gather [hbm4b:s7+s3], $0x80, v3, vm0, $0xb8;
	[tilespmem:$0x10100] =	vst v63  }
0x8c: {  	v3 =	vld [tilespmem:$0x50];
	_ =	sdelay $0x4  }
0x8d: {  	v57 =	vshll.u32 v3, $0x3  }
0x8e: {  	v3 =	vand.u32 $0x7, v3;
	v4 =	vand.u32 $0xFFFFFFC0, v57  }
0x8f: {  	v3 =	vor.u32 v3, v4  }
0x90: {  	v4 =	vperm.xlane v3, v0;
	_ =	sdelay $0x1  }
0x91: {  	v4 =	vadd.s32 v1, v4;
	_ =	sdelay $0x4  }
0x92: {  	[tilespmem:s31], [sflag:$0x1] =	stream.indirect_vreg.gather [hbm4b:s2+s3], $0x80, v4, vm0, $0xb8;
	[tilespmem:$0x10100] =	vst v63  }
0x93: {  	v3 =	vperm.xlane v3, v2  }
0x94: {  	[tilespmem:s1], [sflag:$0x1] =	stream.indirect_vreg.gather [hbm4b:s5+s3], $0x80, v4, vm0, $0xb8;
	[tilespmem:$0x10100] =	vst v63  }
0x95: {  	v3 =	vadd.s32 v1, v3  }
0x96: {  	[tilespmem:s10], [sflag:$0x1] =	stream.indirect_vreg.gather [hbm4b:s6+s3], $0x80, v4, vm0, $0xb8;
	[tilespmem:$0x10100] =	vst v63  }
0x97: {  	_ = 	snop  }
0x98: {  	[tilespmem:s4], [sflag:$0x1] =	stream.indirect_vreg.gather [hbm4b:s7+s3], $0x80, v4, vm0, $0xb8;
	[tilespmem:$0x10100] =	vst v63  }
0x99: {  	_ = 	snop  }
0x9a: {  	[tilespmem:s11], [sflag:$0x1] =	stream.indirect_vreg.gather [hbm4b:s2+s3], $0x80, v3, vm0, $0xb8;
	[tilespmem:$0x10100] =	vst v63  }
0x9b: {  	_ = 	snop  }
0x9c: {  	[tilespmem:s12], [sflag:$0x1] =	stream.indirect_vreg.gather [hbm4b:s5+s3], $0x80, v3, vm0, $0xb8;
	[tilespmem:$0x10100] =	vst v63  }
0x9d: {  	_ = 	snop  }
0x9e: {  	[tilespmem:s13], [sflag:$0x1] =	stream.indirect_vreg.gather [hbm4b:s6+s3], $0x80, v3, vm0, $0xb8;
	[tilespmem:$0x10100] =	vst v63  }
0x9f: {  	_ = 	snop  }
0xa0: {  	[tilespmem:s14], [sflag:$0x1] =	stream.indirect_vreg.gather [hbm4b:s7+s3], $0x80, v3, vm0, $0xb8;
	[tilespmem:$0x10100] =	vst v63  }
0xa1: {  	_ =	swait.ge [sflag:s20], $0x8000  }
0xa2: {  	[sflag:s20] =	ssyncset.done $0x0  }
0xa3: {  	s21 =	rddreg [dreg:$0x4];
	[sflag:s20] =	ssyncadd.s32 $0xFFFF8000  }
0xa4: {  	[hbm4b:s21+s3] =	stream.linear.scatter [tilespmem:s0], [sflag:$0x3], $0x8000, $0x38;
	[tilespmem:$0x10100] =	vst v63  }
0xa5: {  	_ =	swait.ge [sflag:s9], $0x8000  }
0xa6: {  	[sflag:s9] =	ssyncset.done $0x0  }
0xa7: {  	[sflag:s9] =	ssyncadd.s32 $0xFFFF8000  }
0xa8: {  	v3 =	vld [tilespmem:$0x60];
	_ =	sdelay $0x4  }
0xa9: {  	v58 =	vshll.u32 v3, $0x3  }
0xaa: {  	v3 =	vand.u32 $0x7, v3;
	v4 =	vand.u32 $0xFFFFFFC0, v58  }
0xab: {  	v3 =	vor.u32 v3, v4  }
0xac: {  	v4 =	vperm.xlane v3, v0;
	_ =	sdelay $0x1  }
0xad: {  	v4 =	vadd.s32 v1, v4;
	_ =	sdelay $0x4  }
0xae: {  	[tilespmem:s0], [sflag:$0x2] =	stream.indirect_vreg.gather [hbm4b:s2+s3], $0x80, v4, vm0, $0xb8;
	[tilespmem:$0x10100] =	vst v63  }
0xaf: {  	v3 =	vperm.xlane v3, v2  }
0xb0: {  	[tilespmem:s15], [sflag:$0x2] =	stream.indirect_vreg.gather [hbm4b:s5+s3], $0x80, v4, vm0, $0xb8;
	[tilespmem:$0x10100] =	vst v63  }
0xb1: {  	v3 =	vadd.s32 v1, v3  }
0xb2: {  	[tilespmem:s16], [sflag:$0x2] =	stream.indirect_vreg.gather [hbm4b:s6+s3], $0x80, v4, vm0, $0xb8;
	[tilespmem:$0x10100] =	vst v63  }
0xb3: {  	_ = 	snop  }
0xb4: {  	[tilespmem:s17], [sflag:$0x2] =	stream.indirect_vreg.gather [hbm4b:s7+s3], $0x80, v4, vm0, $0xb8;
	[tilespmem:$0x10100] =	vst v63  }
0xb5: {  	_ = 	snop  }
0xb6: {  	[tilespmem:s18], [sflag:$0x2] =	stream.indirect_vreg.gather [hbm4b:s2+s3], $0x80, v3, vm0, $0xb8;
	[tilespmem:$0x10100] =	vst v63  }
0xb7: {  	s21 =	simm.s32 $0xA900  }
0xb8: {  	[tilespmem:s21], [sflag:$0x2] =	stream.indirect_vreg.gather [hbm4b:s5+s3], $0x80, v3, vm0, $0xb8;
	[tilespmem:$0x10100] =	vst v63  }
0xb9: {  	s21 =	simm.s32 $0xB100  }
0xba: {  	[tilespmem:s21], [sflag:$0x2] =	stream.indirect_vreg.gather [hbm4b:s6+s3], $0x80, v3, vm0, $0xb8;
	[tilespmem:$0x10100] =	vst v63  }
0xbb: {  	s21 =	simm.s32 $0xB900  }
0xbc: {  	[tilespmem:s21], [sflag:$0x2] =	stream.indirect_vreg.gather [hbm4b:s7+s3], $0x80, v3, vm0, $0xb8;
	[tilespmem:$0x10100] =	vst v63  }
0xbd: {  	v3 =	vld [tilespmem:$0x70];
	_ =	sdelay $0x4  }
0xbe: {  	v59 =	vshll.u32 v3, $0x3  }
0xbf: {  	v3 =	vand.u32 $0x7, v3;
	v4 =	vand.u32 $0xFFFFFFC0, v59  }
0xc0: {  	v3 =	vor.u32 v3, v4  }
0xc1: {  	v4 =	vperm.xlane v3, v0;
	_ =	sdelay $0x1  }
0xc2: {  	v4 =	vadd.s32 v1, v4;
	_ =	sdelay $0x3  }
0xc3: {  	s21 =	simm.s32 $0xC100  }
0xc4: {  	[tilespmem:s21], [sflag:$0x2] =	stream.indirect_vreg.gather [hbm4b:s2+s3], $0x80, v4, vm0, $0xb8;
	[tilespmem:$0x10100] =	vst v63  }
0xc5: {  	v3 =	vperm.xlane v3, v2;
	s21 =	simm.s32 $0xC900  }
0xc6: {  	[tilespmem:s21], [sflag:$0x2] =	stream.indirect_vreg.gather [hbm4b:s5+s3], $0x80, v4, vm0, $0xb8;
	[tilespmem:$0x10100] =	vst v63  }
0xc7: {  	v3 =	vadd.s32 v1, v3;
	s21 =	simm.s32 $0xD100  }
0xc8: {  	[tilespmem:s21], [sflag:$0x2] =	stream.indirect_vreg.gather [hbm4b:s6+s3], $0x80, v4, vm0, $0xb8;
	[tilespmem:$0x10100] =	vst v63  }
0xc9: {  	s21 =	simm.s32 $0xD900  }
0xca: {  	[tilespmem:s21], [sflag:$0x2] =	stream.indirect_vreg.gather [hbm4b:s7+s3], $0x80, v4, vm0, $0xb8;
	[tilespmem:$0x10100] =	vst v63  }
0xcb: {  	s21 =	simm.s32 $0xE100  }
0xcc: {  	[tilespmem:s21], [sflag:$0x2] =	stream.indirect_vreg.gather [hbm4b:s2+s3], $0x80, v3, vm0, $0xb8;
	[tilespmem:$0x10100] =	vst v63  }
0xcd: {  	s21 =	simm.s32 $0xE900  }
0xce: {  	[tilespmem:s21], [sflag:$0x2] =	stream.indirect_vreg.gather [hbm4b:s5+s3], $0x80, v3, vm0, $0xb8;
	[tilespmem:$0x10100] =	vst v63  }
0xcf: {  	s21 =	simm.s32 $0xF100  }
0xd0: {  	[tilespmem:s21], [sflag:$0x2] =	stream.indirect_vreg.gather [hbm4b:s6+s3], $0x80, v3, vm0, $0xb8;
	[tilespmem:$0x10100] =	vst v63  }
0xd1: {  	s21 =	simm.s32 $0xF900  }
0xd2: {  	[tilespmem:s21], [sflag:$0x2] =	stream.indirect_vreg.gather [hbm4b:s7+s3], $0x80, v3, vm0, $0xb8;
	[tilespmem:$0x10100] =	vst v63  }
0xd3: {  	_ =	swait.ge [sflag:s19], $0x8000  }
0xd4: {  	[sflag:s19] =	ssyncset.done $0x0  }
0xd5: {  	s21 =	rddreg [dreg:$0x5];
	[sflag:s19] =	ssyncadd.s32 $0xFFFF8000  }
0xd6: {  	[hbm4b:s21+s3] =	stream.linear.scatter [tilespmem:s26], [sflag:$0x3], $0x8000, $0x38;
	[tilespmem:$0x10100] =	vst v63  }
0xd7: {  	_ =	swait.ge [sflag:s9], $0x8000  }
0xd8: {  	[sflag:s9] =	ssyncset.done $0x0  }
0xd9: {  	[sflag:s9] =	ssyncadd.s32 $0xFFFF8000  }
0xda: {  	v3 =	vld [tilespmem:$0x80];
	_ =	sdelay $0x4  }
0xdb: {  	v60 =	vshll.u32 v3, $0x3  }
0xdc: {  	v3 =	vand.u32 $0x7, v3;
	v4 =	vand.u32 $0xFFFFFFC0, v60  }
0xdd: {  	v3 =	vor.u32 v3, v4  }
0xde: {  	v4 =	vperm.xlane v3, v0;
	_ =	sdelay $0x1  }
0xdf: {  	v4 =	vadd.s32 v1, v4;
	_ =	sdelay $0x4  }
0xe0: {  	[tilespmem:s26], [sflag:$0x1] =	stream.indirect_vreg.gather [hbm4b:s2+s3], $0x80, v4, vm0, $0xb8;
	[tilespmem:$0x10100] =	vst v63  }
0xe1: {  	v3 =	vperm.xlane v3, v2  }
0xe2: {  	[tilespmem:s22], [sflag:$0x1] =	stream.indirect_vreg.gather [hbm4b:s5+s3], $0x80, v4, vm0, $0xb8;
	[tilespmem:$0x10100] =	vst v63  }
0xe3: {  	v3 =	vadd.s32 v1, v3  }
0xe4: {  	[tilespmem:s23], [sflag:$0x1] =	stream.indirect_vreg.gather [hbm4b:s6+s3], $0x80, v4, vm0, $0xb8;
	[tilespmem:$0x10100] =	vst v63  }
0xe5: {  	_ = 	snop  }
0xe6: {  	[tilespmem:s24], [sflag:$0x1] =	stream.indirect_vreg.gather [hbm4b:s7+s3], $0x80, v4, vm0, $0xb8;
	[tilespmem:$0x10100] =	vst v63  }
0xe7: {  	_ = 	snop  }
0xe8: {  	[tilespmem:s25], [sflag:$0x1] =	stream.indirect_vreg.gather [hbm4b:s2+s3], $0x80, v3, vm0, $0xb8;
	[tilespmem:$0x10100] =	vst v63  }
0xe9: {  	_ = 	snop  }
0xea: {  	[tilespmem:s28], [sflag:$0x1] =	stream.indirect_vreg.gather [hbm4b:s5+s3], $0x80, v3, vm0, $0xb8;
	[tilespmem:$0x10100] =	vst v63  }
0xeb: {  	_ = 	snop  }
0xec: {  	[tilespmem:s29], [sflag:$0x1] =	stream.indirect_vreg.gather [hbm4b:s6+s3], $0x80, v3, vm0, $0xb8;
	[tilespmem:$0x10100] =	vst v63  }
0xed: {  	_ = 	snop  }
0xee: {  	[tilespmem:s30], [sflag:$0x1] =	stream.indirect_vreg.gather [hbm4b:s7+s3], $0x80, v3, vm0, $0xb8;
	[tilespmem:$0x10100] =	vst v63  }
0xef: {  	v3 =	vld [tilespmem:$0x90];
	_ =	sdelay $0x4  }
0xf0: {  	v61 =	vshll.u32 v3, $0x3  }
0xf1: {  	v3 =	vand.u32 $0x7, v3;
	v4 =	vand.u32 $0xFFFFFFC0, v61  }
0xf2: {  	v3 =	vor.u32 v3, v4  }
0xf3: {  	v4 =	vperm.xlane v3, v0;
	_ =	sdelay $0x1  }
0xf4: {  	v4 =	vadd.s32 v1, v4;
	_ =	sdelay $0x4  }
0xf5: {  	[tilespmem:s31], [sflag:$0x1] =	stream.indirect_vreg.gather [hbm4b:s2+s3], $0x80, v4, vm0, $0xb8;
	[tilespmem:$0x10100] =	vst v63  }
0xf6: {  	v3 =	vperm.xlane v3, v2  }
0xf7: {  	[tilespmem:s1], [sflag:$0x1] =	stream.indirect_vreg.gather [hbm4b:s5+s3], $0x80, v4, vm0, $0xb8;
	[tilespmem:$0x10100] =	vst v63  }
0xf8: {  	v3 =	vadd.s32 v1, v3  }
0xf9: {  	[tilespmem:s10], [sflag:$0x1] =	stream.indirect_vreg.gather [hbm4b:s6+s3], $0x80, v4, vm0, $0xb8;
	[tilespmem:$0x10100] =	vst v63  }
0xfa: {  	_ = 	snop  }
0xfb: {  	[tilespmem:s4], [sflag:$0x1] =	stream.indirect_vreg.gather [hbm4b:s7+s3], $0x80, v4, vm0, $0xb8;
	[tilespmem:$0x10100] =	vst v63  }
0xfc: {  	_ = 	snop  }
0xfd: {  	[tilespmem:s11], [sflag:$0x1] =	stream.indirect_vreg.gather [hbm4b:s2+s3], $0x80, v3, vm0, $0xb8;
	[tilespmem:$0x10100] =	vst v63  }
0xfe: {  	_ = 	snop  }
0xff: {  	[tilespmem:s12], [sflag:$0x1] =	stream.indirect_vreg.gather [hbm4b:s5+s3], $0x80, v3, vm0, $0xb8;
	[tilespmem:$0x10100] =	vst v63  }
0x100: {  	_ = 	snop  }
0x101: {  	[tilespmem:s13], [sflag:$0x1] =	stream.indirect_vreg.gather [hbm4b:s6+s3], $0x80, v3, vm0, $0xb8;
	[tilespmem:$0x10100] =	vst v63  }
0x102: {  	_ = 	snop  }
0x103: {  	[tilespmem:s14], [sflag:$0x1] =	stream.indirect_vreg.gather [hbm4b:s7+s3], $0x80, v3, vm0, $0xb8;
	[tilespmem:$0x10100] =	vst v63  }
0x104: {  	_ =	swait.ge [sflag:s20], $0x8000  }
0x105: {  	[sflag:s20] =	ssyncset.done $0x0  }
0x106: {  	s1 =	rddreg [dreg:$0x6];
	[sflag:s20] =	ssyncadd.s32 $0xFFFF8000  }
0x107: {  	[hbm4b:s1+s3] =	stream.linear.scatter [tilespmem:s0], [sflag:$0x3], $0x8000, $0x38;
	[tilespmem:$0x10100] =	vst v63  }
0x108: {  	_ =	swait.ge [sflag:s9], $0x8000  }
0x109: {  	[sflag:s9] =	ssyncset.done $0x0  }
0x10a: {  	[sflag:s9] =	ssyncadd.s32 $0xFFFF8000  }
0x10b: {  	v3 =	vld [tilespmem:$0xA0];
	_ =	sdelay $0x4  }
0x10c: {  	v62 =	vshll.u32 v3, $0x3  }
0x10d: {  	v3 =	vand.u32 $0x7, v3;
	v4 =	vand.u32 $0xFFFFFFC0, v62  }
0x10e: {  	v3 =	vor.u32 v3, v4  }
0x10f: {  	v4 =	vperm.xlane v3, v0;
	_ =	sdelay $0x1  }
0x110: {  	v4 =	vadd.s32 v1, v4;
	_ =	sdelay $0x4  }
0x111: {  	[tilespmem:s0], [sflag:$0x2] =	stream.indirect_vreg.gather [hbm4b:s2+s3], $0x80, v4, vm0, $0xb8;
	[tilespmem:$0x10100] =	vst v63  }
0x112: {  	v3 =	vperm.xlane v3, v2  }
0x113: {  	[tilespmem:s15], [sflag:$0x2] =	stream.indirect_vreg.gather [hbm4b:s5+s3], $0x80, v4, vm0, $0xb8;
	[tilespmem:$0x10100] =	vst v63  }
0x114: {  	v3 =	vadd.s32 v1, v3  }
0x115: {  	[tilespmem:s16], [sflag:$0x2] =	stream.indirect_vreg.gather [hbm4b:s6+s3], $0x80, v4, vm0, $0xb8;
	[tilespmem:$0x10100] =	vst v63  }
0x116: {  	_ = 	snop  }
0x117: {  	[tilespmem:s17], [sflag:$0x2] =	stream.indirect_vreg.gather [hbm4b:s7+s3], $0x80, v4, vm0, $0xb8;
	[tilespmem:$0x10100] =	vst v63  }
0x118: {  	_ = 	snop  }
0x119: {  	[tilespmem:s18], [sflag:$0x2] =	stream.indirect_vreg.gather [hbm4b:s2+s3], $0x80, v3, vm0, $0xb8;
	[tilespmem:$0x10100] =	vst v63  }
0x11a: {  	s21 =	simm.s32 $0xA900  }
0x11b: {  	[tilespmem:s21], [sflag:$0x2] =	stream.indirect_vreg.gather [hbm4b:s5+s3], $0x80, v3, vm0, $0xb8;
	[tilespmem:$0x10100] =	vst v63  }
0x11c: {  	s21 =	simm.s32 $0xB100  }
0x11d: {  	[tilespmem:s21], [sflag:$0x2] =	stream.indirect_vreg.gather [hbm4b:s6+s3], $0x80, v3, vm0, $0xb8;
	[tilespmem:$0x10100] =	vst v63  }
0x11e: {  	s21 =	simm.s32 $0xB900  }
0x11f: {  	[tilespmem:s21], [sflag:$0x2] =	stream.indirect_vreg.gather [hbm4b:s7+s3], $0x80, v3, vm0, $0xb8;
	[tilespmem:$0x10100] =	vst v63  }
0x120: {  	v3 =	vld [tilespmem:$0xB0];
	_ =	sdelay $0x4  }
0x121: {  	v63 =	vshll.u32 v3, $0x3  }
0x122: {  	v3 =	vand.u32 $0x7, v3;
	v4 =	vand.u32 $0xFFFFFFC0, v63  }
0x123: {  	v3 =	vor.u32 v3, v4  }
0x124: {  	v4 =	vperm.xlane v3, v0;
	_ =	sdelay $0x1  }
0x125: {  	v4 =	vadd.s32 v1, v4;
	_ =	sdelay $0x3  }
0x126: {  	s21 =	simm.s32 $0xC100  }
0x127: {  	[tilespmem:s21], [sflag:$0x2] =	stream.indirect_vreg.gather [hbm4b:s2+s3], $0x80, v4, vm0, $0xb8;
	[tilespmem:$0x10100] =	vst v63  }
0x128: {  	v3 =	vperm.xlane v3, v2;
	s21 =	simm.s32 $0xC900  }
0x129: {  	[tilespmem:s21], [sflag:$0x2] =	stream.indirect_vreg.gather [hbm4b:s5+s3], $0x80, v4, vm0, $0xb8;
	[tilespmem:$0x10100] =	vst v63  }
0x12a: {  	v3 =	vadd.s32 v1, v3;
	s21 =	simm.s32 $0xD100  }
0x12b: {  	[tilespmem:s21], [sflag:$0x2] =	stream.indirect_vreg.gather [hbm4b:s6+s3], $0x80, v4, vm0, $0xb8;
	[tilespmem:$0x10100] =	vst v63  }
0x12c: {  	s21 =	simm.s32 $0xD900  }
0x12d: {  	[tilespmem:s21], [sflag:$0x2] =	stream.indirect_vreg.gather [hbm4b:s7+s3], $0x80, v4, vm0, $0xb8;
	[tilespmem:$0x10100] =	vst v63  }
0x12e: {  	s21 =	simm.s32 $0xE100  }
0x12f: {  	[tilespmem:s21], [sflag:$0x2] =	stream.indirect_vreg.gather [hbm4b:s2+s3], $0x80, v3, vm0, $0xb8;
	[tilespmem:$0x10100] =	vst v63  }
0x130: {  	s21 =	simm.s32 $0xE900  }
0x131: {  	[tilespmem:s21], [sflag:$0x2] =	stream.indirect_vreg.gather [hbm4b:s5+s3], $0x80, v3, vm0, $0xb8;
	[tilespmem:$0x10100] =	vst v63  }
0x132: {  	s21 =	simm.s32 $0xF100  }
0x133: {  	[tilespmem:s21], [sflag:$0x2] =	stream.indirect_vreg.gather [hbm4b:s6+s3], $0x80, v3, vm0, $0xb8;
	[tilespmem:$0x10100] =	vst v63  }
0x134: {  	s21 =	simm.s32 $0xF900  }
0x135: {  	[tilespmem:s21], [sflag:$0x2] =	stream.indirect_vreg.gather [hbm4b:s7+s3], $0x80, v3, vm0, $0xb8;
	[tilespmem:$0x10100] =	vst v63  }
0x136: {  	_ =	swait.ge [sflag:s19], $0x8000  }
0x137: {  	[sflag:s19] =	ssyncset.done $0x0  }
0x138: {  	s1 =	rddreg [dreg:$0x7];
	[sflag:s19] =	ssyncadd.s32 $0xFFFF8000  }
0x139: {  	[hbm4b:s1+s3] =	stream.linear.scatter [tilespmem:s26], [sflag:$0x3], $0x8000, $0x38;
	[tilespmem:$0x10100] =	vst v63  }
0x13a: {  	_ =	swait.ge [sflag:s9], $0x8000  }
0x13b: {  	[sflag:s9] =	ssyncset.done $0x0  }
0x13c: {  	[sflag:s9] =	ssyncadd.s32 $0xFFFF8000  }
0x13d: {  	_ =	swait.ge [sflag:s20], $0x8000  }
0x13e: {  	p0 =	sne.s32 s8, $0x1;
	[sflag:s20] =	ssyncset.done $0x0  }
.Ltmp0:
0x13f: {  	s1 =	rddreg [dreg:$0x8];
	[sflag:s20] =	ssyncadd.s32 $0xFFFF8000;
	(pc) =	sbr.rel @p0 .LBB2_1-.Ltmp0, $4  }
0x140: {  	[hbm4b:s1+s3] =	stream.linear.scatter [tilespmem:s0], [sflag:$0x3], $0x8000, $0x38;
	[tilespmem:$0x10100] =	vst v63  }
0x141: {  	_ =	swait.ge [sflag:s9], $0x8000  }
0x142: {  	[sflag:s9] =	ssyncset.done $0x0  }
0x143: {  	s8 =	sadd.s32 $0xFFFFFFFF, s8;
	[sflag:s9] =	ssyncadd.s32 $0xFFFF8000  }
0x144: {  	_ =	sfence.sel $0x180000  }
0x145: {  	[bflag:$0x0] =	sbarrier.arrive $0xFFFF  }
0x146: {  	_ =	strace $0x9000004A  }
0x147: {  	s0 =	stileid.u32;
	[bflag:$0x2] =	sbarrier.arrive $0xFFFF  }
0x148: {  	p0 =	sne.s32 s0, $0x0;
	s0 =	rddreg [dreg:$0x2]  }
0x149: {  	s0 =	sadd.s32 @!p0 $0x100000, s0  }
0x14a: {  	[sflag:s0] =	ssyncadd.tile.s32 @!p0 $0x1;
	_ =	shalt  }
.Lfunc_end2:
_tile_overlayer_lowered:
.L_overlay_start_2:
0x14b: {  	(tag) =	ssettag $0x2  }
0x14c: {  	s0 =	rddreg [dreg:$0x0];
	s2 =	stileid.u32  }
0x14d: {  	s1 =	rddreg [dreg:$0x1];
	p0 =	sne.s32 s2, $0x0  }
0x14e: {  	s3 =	rddreg [dreg:$0x2];
	[bflag:$0x3] =	sbarrier.arrive $0xFFFF;
	s2 =	simm.s32 @!p0 $0x1C03  }
0x14f: {  	[timem:s3], [sflag:s2] =	dma.local @!p0 [hbm:s0], s1  }
0x150: {  	s0 =	simm.s32 @!p0 $0x3  }
0x151: {  	_ =	swait.ge @!p0 [sflag:s0], s1  }
0x152: {  	s1 =	ssub.s32 @!p0 $0x0, s1;
	[sflag:s0] =	ssyncset.done @!p0 $0x0  }
0x153: {  	[sflag:s0] =	ssyncadd.s32 @!p0 s1  }
0x154: {  	[bflag:$0x3] =	sbarrier.arrive $0xFFFF  }
0x155: {  	_ =	shalt  }

// kernel: kernel.8.cloned.1.call-start
scs
__scs_entry_jumppad:
0x0: {  	(pc) =	sbr.rel $0x88, $3  }
0x1: {  	(tag) =	ssettag $0x0;
	lr =	simm.s32 $0x1  }
0x2: {  	[smem:$0x3F9C] =	sst lr;
	_ =	strace $0xD0000000  }
0x3: {  	_ = 	snop  }
0x4: {  	_ = 	snop  }
0x5: {  	_ = 	snop  }
0x6: {  	_ = 	snop  }
0x7: {  	_ = 	snop  }
__scs_overlays_trampoline_lowered:
0x8: {  	[smem:$0x3FAB] =	sst s0  }
0x9: {  	[smem:$0x3FAC] =	sst s1  }
0xa: {  	[smem:$0x3FAD] =	sst s2  }
0xb: {  	[smem:$0x3FAE] =	sst s3  }
0xc: {  	[smem:$0x3FAF] =	sst s4  }
0xd: {  	[smem:$0x3FB0] =	sst s5  }
0xe: {  	[smem:$0x3FB1] =	sst s6  }
0xf: {  	[smem:$0x3FB2] =	sst s7  }
0x10: {  	[smem:$0x3FB3] =	sst s8  }
0x11: {  	[smem:$0x3FB4] =	sst s9;
	s0 =	simm.s32 @!p0 $0x0  }
0x12: {  	s1 =	sld [smem:$0x3F9A];
	s0 =	simm.s32 @p0 $0x1  }
0x13: {  	[smem:$0x3FB5] =	sst s0;
	s0 =	simm.s32 @!p1 $0x0  }
0x14: {  	s2 =	sld [smem:$0x3F99];
	s0 =	simm.s32 @p1 $0x1  }
0x15: {  	[smem:$0x3FB6] =	sst s0;
	s0 =	simm.s32 @!p2 $0x0  }
0x16: {  	s3 =	sld [smem:$0x3FDB];
	s0 =	simm.s32 @p2 $0x1  }
0x17: {  	s4 =	simm.s32 $0x1BF5;
	[smem:$0x3FB8] =	sst s0  }
0x18: {  	s0 =	sld [smem:$0x3F9B];
	_ =	swait.ge [sflag:s4], $0x0  }
0x19: {  	s7 =	sld [smem:$0x3F9C]  }
0x1a: {  	s8 =	sadd.s32 $0xFFFFE003, lr  }
0x1b: {  	s9 =	sadd.s32 $0xFFFFFEF7, lr;
	s5 =	simm.s32 $0xFFFFFFFF;
	p2 =	slt.u32 s8, $0xFFFFF086  }
0x1c: {  	p1 =	slt.u32 s9, $0xF7A;
	s5 =	simm.s32 @!p2 $0x0  }
0x1d: {  	s5 =	simm.s32 @p1 $0x1;
	p0 =	seq.s32 s7, s2  }
0x1e: {  	s7 =	smul.u32 @!p0 $0xF7A, s2;
	p2 =	seq.s32 @!p0 s5, $0x0  }
0x1f: {  	s9 =	smul.u32 $0xF7A, s1;
	s8 =	simm.s32 @!p0 $0x1BF5;
	p2 =	por !p2, p0  }
0x20: {  	[sflag:s8] =	ssyncset.s32 @!p0 $0xFFFFF086;
	s6 =	sadd.s32 @!p0 s3, s7;
	s7 =	simm.s32 @!p0 $0x108  }
0x21: {  	s3 =	sadd.s32 s3, s9;
	s6 =	sadd.s32 @!p0 $0x88, s6;
	s7 =	simm.s32 @p2 $0x1082  }
0x22: {  	[simem:s7], [sflag:s8] =	dma.local @!p0 [hbm:s6], $0xF7A  }
0x23: {  	s9 =	sor.u32 $0xD0000000, s2;
	s6 =	simm.s32 $0x108;
	_ =	swait.ge @!p0 [sflag:s8], $0x0  }
0x24: {  	s3 =	sadd.s32 $0x88, s3;
	s6 =	simm.s32 @!p1 $0x1082;
	[sflag:s4] =	ssyncset.s32 $0xFFFFF086  }
0x25: {  	[simem:s6], [sflag:s4] =	dma.local [hbm:s3], $0xF7A  }
0x26: {  	[smem:$0x3F9C] =	sst s1;
	(tag) =	ssettag s2;
	_ =	strace s9  }
0x27: {  	s1 =	sld [smem:$0x3FAC]  }
0x28: {  	s2 =	sld [smem:$0x3FAD]  }
0x29: {  	s4 =	sld [smem:$0x3FAF]  }
0x2a: {  	p0 =	seq.s32 s5, $0x0;
	s5 =	sld [smem:$0x3FB0]  }
0x2b: {  	s6 =	sld [smem:$0x3FB1]  }
0x2c: {  	s7 =	sld [smem:$0x3FB2]  }
0x2d: {  	s3 =	simm.s32 $0x108;
	s8 =	sld [smem:$0x3FB3]  }
0x2e: {  	s3 =	simm.s32 @!p0 $0x1082;
	s9 =	sld [smem:$0x3FB4]  }
0x2f: {  	lr =	sadd.s32 s0, s3;
	s0 =	sld [smem:$0x3FAB]  }
0x30: {  	s3 =	sld [smem:$0x3FAE]  }
0x31: {  	[smem:$0x3FB7] =	sst s10  }
0x32: {  	s10 =	sld [smem:$0x3FB5];
	_ =	sdelay $0x3  }
0x33: {  	p0 =	seq.s32 s10, $0x1;
	s10 =	sld [smem:$0x3FB7];
	_ =	sdelay $0x3  }
0x34: {  	[smem:$0x3FB7] =	sst s10  }
0x35: {  	s10 =	sld [smem:$0x3FB6];
	_ =	sdelay $0x3  }
0x36: {  	p1 =	seq.s32 s10, $0x1;
	s10 =	sld [smem:$0x3FB7];
	_ =	sdelay $0x3  }
0x37: {  	[smem:$0x3FB7] =	sst s10  }
0x38: {  	s10 =	sld [smem:$0x3FB8]  }
0x39: {  	_ = 	snop;
	(pc) =	sbr.ind lr, $3  }
0x3a: {  	_ = 	snop  }
0x3b: {  	_ = 	snop  }
0x3c: {  	p2 =	seq.s32 s10, $0x1;
	s10 =	sld [smem:$0x3FB7]  }
0x3d: {  	_ =	shalt  }
0x3e: {  	_ =	shalt  }
0x3f: {  	_ =	shalt  }
0x40: {  	_ =	shalt  }
0x41: {  	_ =	shalt  }
0x42: {  	_ =	shalt  }
0x43: {  	_ =	shalt  }
0x44: {  	_ =	shalt  }
0x45: {  	_ =	shalt  }
0x46: {  	_ =	shalt  }
0x47: {  	_ =	shalt  }
0x48: {  	_ =	shalt  }
0x49: {  	_ =	shalt  }
0x4a: {  	_ =	shalt  }
0x4b: {  	_ =	shalt  }
0x4c: {  	_ =	shalt  }
0x4d: {  	_ =	shalt  }
0x4e: {  	_ =	shalt  }
0x4f: {  	_ =	shalt  }
0x50: {  	_ =	shalt  }
0x51: {  	_ =	shalt  }
0x52: {  	_ =	shalt  }
0x53: {  	_ =	shalt  }
0x54: {  	_ =	shalt  }
0x55: {  	_ =	shalt  }
0x56: {  	_ =	shalt  }
0x57: {  	_ =	shalt  }
0x58: {  	_ =	shalt  }
0x59: {  	_ =	shalt  }
0x5a: {  	_ =	shalt  }
0x5b: {  	_ =	shalt  }
0x5c: {  	_ =	shalt  }
0x5d: {  	_ =	shalt  }
0x5e: {  	_ =	shalt  }
0x5f: {  	_ =	shalt  }
0x60: {  	_ =	shalt  }
0x61: {  	_ =	shalt  }
0x62: {  	_ =	shalt  }
0x63: {  	_ =	shalt  }
0x64: {  	_ =	shalt  }
0x65: {  	_ =	shalt  }
0x66: {  	_ =	shalt  }
0x67: {  	_ =	shalt  }
0x68: {  	_ =	shalt  }
0x69: {  	_ =	shalt  }
0x6a: {  	_ =	shalt  }
0x6b: {  	_ =	shalt  }
0x6c: {  	_ =	shalt  }
0x6d: {  	_ =	shalt  }
0x6e: {  	_ =	shalt  }
0x6f: {  	_ =	shalt  }
0x70: {  	_ =	shalt  }
0x71: {  	_ =	shalt  }
0x72: {  	_ =	shalt  }
0x73: {  	_ =	shalt  }
0x74: {  	_ =	shalt  }
0x75: {  	_ =	shalt  }
0x76: {  	_ =	shalt  }
0x77: {  	_ =	shalt  }
0x78: {  	_ =	shalt  }
0x79: {  	_ =	shalt  }
0x7a: {  	_ =	shalt  }
0x7b: {  	_ =	shalt  }
0x7c: {  	_ =	shalt  }
0x7d: {  	_ =	shalt  }
0x7e: {  	_ =	shalt  }
0x7f: {  	_ =	shalt  }
0x80: {  	_ =	shalt  }
0x81: {  	_ =	shalt  }
0x82: {  	_ =	shalt  }
0x83: {  	_ =	shalt  }
0x84: {  	_ =	shalt  }
0x85: {  	_ =	shalt  }
0x86: {  	_ =	shalt  }
0x87: {  	_ =	shalt  }
.Lfunc_end0:
.L_simem_size_0:
called_computation.2_lowered:
.L_overlay_start_0:
0x88: {  	s2 =	sld [smem:$0x3FD9]  }
0x89: {  	s3 =	sld [smem:$0x3FFE];
	_ =	sdelay $0x1  }
0x8a: {  	s1 =	srdreg.scid  }
0x8b: {  	s0 =	sand.u32 $0x1, s1  }
0x8c: {  	s14 =	sshll.u32 s0, $0xA;
	s2 =	sadd.s32 s3, s2  }
0x8d: {  	s2 =	sadd.s32 s2, s14  }
0x8e: {  	[smem:$0x3FC3] =	sst s2  }
0x8f: {  	_ = 	snop  }
0x90: {  	s2 =	sld [smem:$0x3FD0];
	_ =	sdelay $0x2  }
0x91: {  	s15 =	simm.s32 $0xA;
	s4 =	simm.s32 $0x10  }
0x92: {  	[smem:s4], [sflag:s15] =	dma.local [hbm:s2], $0x1  }
0x93: {  	_ =	swait.eq [sflag:s15], $0x1  }
0x94: {  	[sflag:s15] =	ssyncset.done $0x0  }
0x95: {  	s16 =	sld [smem:$0x10];
	[sflag:s15] =	ssyncadd.s32 $0xFFFFFFFF  }
0x96: {  	s17 =	sld [smem:$0x12];
	(tm) =	ssettm $0x1  }
0x97: {  	s18 =	sld [smem:$0x3FFB];
	_ =	sdelay $0x3  }
0x98: {  	_ =	strace s18  }
0x99: {  	s4 =	sld [smem:$0x3FFC];
	_ =	sdelay $0x3  }
0x9a: {  	_ =	strace s4  }
0x9b: {  	s4 =	sld [smem:$0x3FFD];
	_ =	sdelay $0x3  }
0x9c: {  	_ =	strace s4  }
0x9d: {  	_ =	strace $0x8FFFFFFF  }
0x9e: {  	s19 =	sld [smem:$0x3FDB];
	_ =	sdelay $0x1  }
0x9f: {  	s5 =	simm.s32 $_scs_section_size  }
0xa0: {  	s6 =	simm.s32 $_size__tile_overlayer_lowered;
	s7 =	simm.s32 $_tile_overlayer_lowered  }
0xa1: {  	s22 =	simm.s32 $0x1BFF;
	s21 =	sshll.u32 s7, $0x1;
	s4 =	sadd.s32 s5, s19  }
0xa2: {  	s8 =	simm.s32 $0x0;
	s20 =	sshll.u32 s6, $0x1;
	s6 =	sadd.s32 s21, s4  }
0xa3: {  	[timem:s8], [sflag:s22] =	dma.local [hbm:s6], s20  }
0xa4: {  	_ =	swait.ge [sflag:s22], s20  }
0xa5: {  	s5 =	ssub.s32 $0x0, s20;
	[sflag:s22] =	ssyncset.done $0x0  }
0xa6: {  	[sflag:s22] =	ssyncadd.s32 s5;
	_ =	sdelay $0x1  }
0xa7: {  	s23 =	simm.s32 $0x1B8B  }
0xa8: {  	_ =	swait.ge [sflag:s23], $0x1  }
0xa9: {  	[sflag:s23] =	ssyncset.done $0x0  }
0xaa: {  	s25 =	simm.s32 $0x1B8E;
	s24 =	sld [smem:$0x3FFE];
	[sflag:s23] =	ssyncadd.s32 $0xFFFFFFFF  }
0xab: {  	s26 =	simm.s32 $execute0_lowered;
	[smem:$0x3FD2] =	sst s25  }
0xac: {  	s6 =	sshll.u32 s26, $0x1;
	_ =	strace $0x8000004C;
	[dreg:$0x1] =	wrdreg $0xFFFFFFFF  }
0xad: {  	s28 =	simm.s32 $_size_execute0_lowered;
	s4 =	sadd.s32 s4, s6;
	[dreg:$0x0] =	wrdreg $0x0  }
0xae: {  	s6 =	sshll.u32 s28, $0x1;
	[dreg:$0x2] =	wrdreg s4  }
0xaf: {  	[dreg:$0x3] =	wrdreg s6  }
0xb0: {  	[dreg:$0x4] =	wrdreg $0xC0  }
0xb1: {  	_ =	task [dreg:s8], $0x5FFFF  }
0xb2: {  	[dreg:$0x1] =	wrdreg $0xFFFFFFFF  }
0xb3: {  	[dreg:$0x0] =	wrdreg $0x60  }
0xb4: {  	[dreg:$0x2] =	wrdreg s24  }
0xb5: {  	[dreg:$0x3] =	wrdreg s17  }
0xb6: {  	[dreg:$0x4] =	wrdreg s16  }
0xb7: {  	[dreg:$0x5] =	wrdreg $0x9  }
0xb8: {  	_ =	task.clear_ibuf [dreg:s8], $0x6FFFF;
	_ =	strace $0x9000004C  }
0xb9: {  	s29 =	simm.s32 $0x9;
	_ =	strace $0x8000004E  }
0xba: {  	_ =	swait.ge [sflag:s29], $0x1  }
0xbb: {  	[sflag:s29] =	ssyncadd.s32 $0xFFFFFFFF  }
0xbc: {  	_ =	strace $0x9000004E  }
0xbd: {  	_ =	sfence  }
0xbe: {  	s30 =	sld [smem:$0x0];
	_ =	sdelay $0x2  }
0xbf: {  	s31 =	sshll.u32 s1, $0xD;
	s1 =	sshrl.u32 s1, $0x2  }
0xc0: {  	s3 =	sand.u32 $0x4000, s31;
	s1 =	sadd.s32 s1, s30  }
0xc1: {  	s0 =	sor.u32 s3, s0;
	s1 =	sshll.u32 s1, $0x11  }
0xc2: {  	s0 =	sor.u32 s1, s0  }
0xc3: {  	s0 =	sadd.s32 $0x8F2B, s0  }
0xc4: {  	[sflag:s0] =	ssyncadd.remote.s32 $0x1  }
0xc5: {  	_ =	sfence.sel $0xFFFF  }
0xc6: {  	[dreg:$0x0] =	wrdreg $0xFFFFFFFF;
	(pc) =	sbr.abs _section_cstart, $3  }
0xc7: {  	[dreg:$0x1] =	wrdreg $0xFFFFFFFF  }
0xc8: {  	_ =	task.clear_ibuf [dreg:s8], $0x2FFFF;
	_ =	strace $0x9FFFFFFF  }
0xc9: {  	(tm) =	ssettm $0x7FFFFFFF  }
tec
execute0_lowered:
.L_overlay_start_1:
0x0: {  	(tag) =	ssettag $0x1  }
0x1: {  	s0 =	rddreg [dreg:$0x0]  }
0x2: {  	s1 =	rddreg [dreg:$0x1]  }
0x3: {  	s4 =	rddreg [dreg:$0x2];
	s3 =	srdreg.scid  }
0x4: {  	s2 =	simm.s32 $0x0;
	s6 =	stileid.u32;
	s9 =	simm.s32 $0x3  }
0x5: {  	s10 =	simm.s32 $0x1;
	s20 =	simm.s32 $0x2;
	s28 =	simm.s32 $0x2880  }
0x6: {  	s29 =	simm.s32 $0x3080;
	s30 =	simm.s32 $0x3880;
	s31 =	simm.s32 $0x4080  }
0x7: {  	s11 =	simm.s32 $0x5880;
	s12 =	simm.s32 $0x6080;
	s13 =	simm.s32 $0x6880  }
0x8: {  	s14 =	simm.s32 $0x7080;
	s15 =	simm.s32 $0x7880;
	s16 =	simm.s32 $0x8880  }
0x9: {  	s17 =	simm.s32 $0x9080;
	s18 =	simm.s32 $0x9880;
	s19 =	simm.s32 $0xA080  }
0xa: {  	s5 =	sand.u32 $0x1, s3;
	[smem:$0x7FF] =	sst s2;
	s21 =	sshll.u32 s6, $0x8  }
0xb: {  	s3 =	sadd.s32 $0xC0400, s0;
	s22 =	sshll.u32 s5, $0x7;
	s5 =	ssub.s32 $0x2, s5  }
0xc: {  	_ =	strace $0x8000004D;
	s6 =	sor.u32 s22, s21;
	s23 =	sshrl.u32 s5, $0x1  }
0xd: {  	s22 =	simm.s32 $0x880;
	s7 =	sshrl.u32 s6, $0x3;
	s6 =	sshll.u32 s6, $0x7  }
0xe: {  	s1 =	sadd.s32 s1, s7;
	s6 =	sadd.s32 s4, s6;
	s4 =	ssub.s32 s5, s23  }
0xf: {  	s5 =	sadd.s32 $0xC0500, s0;
	s7 =	sadd.s32 $0xC0700, s0;
	[dreg:$0x4] =	wrdreg s1  }
0x10: {  	s23 =	simm.s32 $0x1080;
	s24 =	sadd.s32 $0x1000, s6;
	[dreg:$0x8] =	wrdreg s6  }
0x11: {  	s25 =	sadd.s32 $0x2000, s6;
	s26 =	sadd.s32 $0x3000, s6;
	[dreg:$0x5] =	wrdreg s24  }
0x12: {  	v2 =	vlaneseq.u32;
	s6 =	sadd.s32 $0xC0600, s0;
	s8 =	smax.u32 s4, $0x1;
	[dreg:$0x6] =	wrdreg s25  }
0x13: {  	vm0 =	vmmov $0xffff;
	v1 =	vshrl.u32 v2, $0x3;
	s1 =	simm.s32 $0x5080;
	s4 =	simm.s32 $0x8080;
	[dreg:$0x7] =	wrdreg s26  }
0x14: {  	v0 =	vand.u32 $0x7, v2;
	v2 =	vor.u32 $0x8, v2;
	v1 =	vmul.u32 $0x8, v1;
	s26 =	simm.s32 $0x80;
	s24 =	simm.s32 $0x1880;
	s25 =	simm.s32 $0x2080  }
.LBB2_1:
0x15: {  	s21 =	rddreg [dreg:$0x4]  }
0x16: {  	[tilespmem:s2], [sflag:$0x3] =	stream.linear.gather [hbm4b:s21+s2], $0x80, $0x38;
	[tilespmem:$0x10080] =	vst v63  }
0x17: {  	_ =	swait.ge [sflag:s9], $0x80  }
0x18: {  	[sflag:s9] =	ssyncset.done $0x0  }
0x19: {  	[sflag:s9] =	ssyncadd.s32 $0xFFFFFF80  }
0x1a: {  	v3 =	vld [tilespmem:$0x0];
	_ =	sdelay $0x4  }
0x1b: {  	v4 =	vshll.u32 v3, $0x3  }
0x1c: {  	v3 =	vand.u32 $0x7, v3;
	v4 =	vand.u32 $0xFFFFFFC0, v4  }
0x1d: {  	v3 =	vor.u32 v3, v4  }
0x1e: {  	v4 =	vperm.xlane v3, v0;
	_ =	sdelay $0x1  }
0x1f: {  	v4 =	vadd.s32 v1, v4;
	_ =	sdelay $0x4  }
0x20: {  	[tilespmem:s26], [sflag:$0x1] =	stream.indirect_vreg.gather [hbm4b:s3+s2], $0x80, v4, vm0, $0xb8;
	[tilespmem:$0x10080] =	vst v63  }
0x21: {  	v3 =	vperm.xlane v3, v2  }
0x22: {  	[tilespmem:s22], [sflag:$0x1] =	stream.indirect_vreg.gather [hbm4b:s5+s2], $0x80, v4, vm0, $0xb8;
	[tilespmem:$0x10080] =	vst v63  }
0x23: {  	v3 =	vadd.s32 v1, v3  }
0x24: {  	[tilespmem:s23], [sflag:$0x1] =	stream.indirect_vreg.gather [hbm4b:s6+s2], $0x80, v4, vm0, $0xb8;
	[tilespmem:$0x10080] =	vst v63  }
0x25: {  	_ = 	snop  }
0x26: {  	[tilespmem:s24], [sflag:$0x1] =	stream.indirect_vreg.gather [hbm4b:s7+s2], $0x80, v4, vm0, $0xb8;
	[tilespmem:$0x10080] =	vst v63  }
0x27: {  	_ = 	snop  }
0x28: {  	[tilespmem:s25], [sflag:$0x1] =	stream.indirect_vreg.gather [hbm4b:s3+s2], $0x80, v3, vm0, $0xb8;
	[tilespmem:$0x10080] =	vst v63  }
0x29: {  	_ = 	snop  }
0x2a: {  	[tilespmem:s28], [sflag:$0x1] =	stream.indirect_vreg.gather [hbm4b:s5+s2], $0x80, v3, vm0, $0xb8;
	[tilespmem:$0x10080] =	vst v63  }
0x2b: {  	_ = 	snop  }
0x2c: {  	[tilespmem:s29], [sflag:$0x1] =	stream.indirect_vreg.gather [hbm4b:s6+s2], $0x80, v3, vm0, $0xb8;
	[tilespmem:$0x10080] =	vst v63  }
0x2d: {  	_ = 	snop  }
0x2e: {  	[tilespmem:s30], [sflag:$0x1] =	stream.indirect_vreg.gather [hbm4b:s7+s2], $0x80, v3, vm0, $0xb8;
	[tilespmem:$0x10080] =	vst v63  }
0x2f: {  	v3 =	vld [tilespmem:$0x10];
	_ =	sdelay $0x4  }
0x30: {  	v57 =	vshll.u32 v3, $0x3  }
0x31: {  	v3 =	vand.u32 $0x7, v3;
	v4 =	vand.u32 $0xFFFFFFC0, v57  }
0x32: {  	v3 =	vor.u32 v3, v4  }
0x33: {  	v4 =	vperm.xlane v3, v0;
	_ =	sdelay $0x1  }
0x34: {  	v4 =	vadd.s32 v1, v4;
	_ =	sdelay $0x4  }
0x35: {  	[tilespmem:s31], [sflag:$0x1] =	stream.indirect_vreg.gather [hbm4b:s3+s2], $0x80, v4, vm0, $0xb8;
	[tilespmem:$0x10080] =	vst v63  }
0x36: {  	s0 =	simm.s32 $0x4880;
	v3 =	vperm.xlane v3, v2  }
0x37: {  	[tilespmem:s0], [sflag:$0x1] =	stream.indirect_vreg.gather [hbm4b:s5+s2], $0x80, v4, vm0, $0xb8;
	[tilespmem:$0x10080] =	vst v63  }
0x38: {  	v3 =	vadd.s32 v1, v3  }
0x39: {  	[tilespmem:s1], [sflag:$0x1] =	stream.indirect_vreg.gather [hbm4b:s6+s2], $0x80, v4, vm0, $0xb8;
	[tilespmem:$0x10080] =	vst v63  }
0x3a: {  	_ = 	snop  }
0x3b: {  	[tilespmem:s11], [sflag:$0x1] =	stream.indirect_vreg.gather [hbm4b:s7+s2], $0x80, v4, vm0, $0xb8;
	[tilespmem:$0x10080] =	vst v63  }
0x3c: {  	_ = 	snop  }
0x3d: {  	[tilespmem:s12], [sflag:$0x1] =	stream.indirect_vreg.gather [hbm4b:s3+s2], $0x80, v3, vm0, $0xb8;
	[tilespmem:$0x10080] =	vst v63  }
0x3e: {  	_ = 	snop  }
0x3f: {  	[tilespmem:s13], [sflag:$0x1] =	stream.indirect_vreg.gather [hbm4b:s5+s2], $0x80, v3, vm0, $0xb8;
	[tilespmem:$0x10080] =	vst v63  }
0x40: {  	_ = 	snop  }
0x41: {  	[tilespmem:s14], [sflag:$0x1] =	stream.indirect_vreg.gather [hbm4b:s6+s2], $0x80, v3, vm0, $0xb8;
	[tilespmem:$0x10080] =	vst v63  }
0x42: {  	_ = 	snop  }
0x43: {  	[tilespmem:s15], [sflag:$0x1] =	stream.indirect_vreg.gather [hbm4b:s7+s2], $0x80, v3, vm0, $0xb8;
	[tilespmem:$0x10080] =	vst v63  }
0x44: {  	v3 =	vld [tilespmem:$0x20];
	_ =	sdelay $0x4  }
0x45: {  	v58 =	vshll.u32 v3, $0x3  }
0x46: {  	v3 =	vand.u32 $0x7, v3;
	v4 =	vand.u32 $0xFFFFFFC0, v58  }
0x47: {  	v3 =	vor.u32 v3, v4  }
0x48: {  	v4 =	vperm.xlane v3, v0;
	_ =	sdelay $0x1  }
0x49: {  	v4 =	vadd.s32 v1, v4;
	_ =	sdelay $0x4  }
0x4a: {  	[tilespmem:s4], [sflag:$0x2] =	stream.indirect_vreg.gather [hbm4b:s3+s2], $0x80, v4, vm0, $0xb8;
	[tilespmem:$0x10080] =	vst v63  }
0x4b: {  	v3 =	vperm.xlane v3, v2  }
0x4c: {  	[tilespmem:s16], [sflag:$0x2] =	stream.indirect_vreg.gather [hbm4b:s5+s2], $0x80, v4, vm0, $0xb8;
	[tilespmem:$0x10080] =	vst v63  }
0x4d: {  	v3 =	vadd.s32 v1, v3  }
0x4e: {  	[tilespmem:s17], [sflag:$0x2] =	stream.indirect_vreg.gather [hbm4b:s6+s2], $0x80, v4, vm0, $0xb8;
	[tilespmem:$0x10080] =	vst v63  }
0x4f: {  	_ = 	snop  }
0x50: {  	[tilespmem:s18], [sflag:$0x2] =	stream.indirect_vreg.gather [hbm4b:s7+s2], $0x80, v4, vm0, $0xb8;
	[tilespmem:$0x10080] =	vst v63  }
0x51: {  	_ = 	snop  }
0x52: {  	[tilespmem:s19], [sflag:$0x2] =	stream.indirect_vreg.gather [hbm4b:s3+s2], $0x80, v3, vm0, $0xb8;
	[tilespmem:$0x10080] =	vst v63  }
0x53: {  	s21 =	simm.s32 $0xA880  }
0x54: {  	[tilespmem:s21], [sflag:$0x2] =	stream.indirect_vreg.gather [hbm4b:s5+s2], $0x80, v3, vm0, $0xb8;
	[tilespmem:$0x10080] =	vst v63  }
0x55: {  	s21 =	simm.s32 $0xB080  }
0x56: {  	[tilespmem:s21], [sflag:$0x2] =	stream.indirect_vreg.gather [hbm4b:s6+s2], $0x80, v3, vm0, $0xb8;
	[tilespmem:$0x10080] =	vst v63  }
0x57: {  	s21 =	simm.s32 $0xB880  }
0x58: {  	[tilespmem:s21], [sflag:$0x2] =	stream.indirect_vreg.gather [hbm4b:s7+s2], $0x80, v3, vm0, $0xb8;
	[tilespmem:$0x10080] =	vst v63  }
0x59: {  	v3 =	vld [tilespmem:$0x30];
	_ =	sdelay $0x4  }
0x5a: {  	v59 =	vshll.u32 v3, $0x3  }
0x5b: {  	v3 =	vand.u32 $0x7, v3;
	v4 =	vand.u32 $0xFFFFFFC0, v59  }
0x5c: {  	v3 =	vor.u32 v3, v4  }
0x5d: {  	v4 =	vperm.xlane v3, v0;
	_ =	sdelay $0x1  }
0x5e: {  	v4 =	vadd.s32 v1, v4;
	_ =	sdelay $0x3  }
0x5f: {  	s21 =	simm.s32 $0xC080  }
0x60: {  	[tilespmem:s21], [sflag:$0x2] =	stream.indirect_vreg.gather [hbm4b:s3+s2], $0x80, v4, vm0, $0xb8;
	[tilespmem:$0x10080] =	vst v63  }
0x61: {  	v3 =	vperm.xlane v3, v2;
	s21 =	simm.s32 $0xC880  }
0x62: {  	[tilespmem:s21], [sflag:$0x2] =	stream.indirect_vreg.gather [hbm4b:s5+s2], $0x80, v4, vm0, $0xb8;
	[tilespmem:$0x10080] =	vst v63  }
0x63: {  	v3 =	vadd.s32 v1, v3;
	s21 =	simm.s32 $0xD080  }
0x64: {  	[tilespmem:s21], [sflag:$0x2] =	stream.indirect_vreg.gather [hbm4b:s6+s2], $0x80, v4, vm0, $0xb8;
	[tilespmem:$0x10080] =	vst v63  }
0x65: {  	s21 =	simm.s32 $0xD880  }
0x66: {  	[tilespmem:s21], [sflag:$0x2] =	stream.indirect_vreg.gather [hbm4b:s7+s2], $0x80, v4, vm0, $0xb8;
	[tilespmem:$0x10080] =	vst v63  }
0x67: {  	s21 =	simm.s32 $0xE080  }
0x68: {  	[tilespmem:s21], [sflag:$0x2] =	stream.indirect_vreg.gather [hbm4b:s3+s2], $0x80, v3, vm0, $0xb8;
	[tilespmem:$0x10080] =	vst v63  }
0x69: {  	s21 =	simm.s32 $0xE880  }
0x6a: {  	[tilespmem:s21], [sflag:$0x2] =	stream.indirect_vreg.gather [hbm4b:s5+s2], $0x80, v3, vm0, $0xb8;
	[tilespmem:$0x10080] =	vst v63  }
0x6b: {  	s21 =	simm.s32 $0xF080  }
0x6c: {  	[tilespmem:s21], [sflag:$0x2] =	stream.indirect_vreg.gather [hbm4b:s6+s2], $0x80, v3, vm0, $0xb8;
	[tilespmem:$0x10080] =	vst v63  }
0x6d: {  	s21 =	simm.s32 $0xF880  }
0x6e: {  	[tilespmem:s21], [sflag:$0x2] =	stream.indirect_vreg.gather [hbm4b:s7+s2], $0x80, v3, vm0, $0xb8;
	[tilespmem:$0x10080] =	vst v63  }
0x6f: {  	_ =	swait.ge [sflag:s10], $0x8000  }
0x70: {  	[sflag:s10] =	ssyncset.done $0x0  }
0x71: {  	s21 =	rddreg [dreg:$0x8];
	[sflag:s10] =	ssyncadd.s32 $0xFFFF8000  }
0x72: {  	[hbm4b:s21+s2] =	stream.linear.scatter [tilespmem:s26], [sflag:$0x3], $0x8000, $0x38;
	[tilespmem:$0x10080] =	vst v63  }
0x73: {  	_ =	swait.ge [sflag:s9], $0x8000  }
0x74: {  	[sflag:s9] =	ssyncset.done $0x0  }
0x75: {  	[sflag:s9] =	ssyncadd.s32 $0xFFFF8000  }
0x76: {  	v3 =	vld [tilespmem:$0x40];
	_ =	sdelay $0x4  }
0x77: {  	v60 =	vshll.u32 v3, $0x3  }
0x78: {  	v3 =	vand.u32 $0x7, v3;
	v4 =	vand.u32 $0xFFFFFFC0, v60  }
0x79: {  	v3 =	vor.u32 v3, v4  }
0x7a: {  	v4 =	vperm.xlane v3, v0;
	_ =	sdelay $0x1  }
0x7b: {  	v4 =	vadd.s32 v1, v4;
	_ =	sdelay $0x4  }
0x7c: {  	[tilespmem:s26], [sflag:$0x1] =	stream.indirect_vreg.gather [hbm4b:s3+s2], $0x80, v4, vm0, $0xb8;
	[tilespmem:$0x10080] =	vst v63  }
0x7d: {  	v3 =	vperm.xlane v3, v2  }
0x7e: {  	[tilespmem:s22], [sflag:$0x1] =	stream.indirect_vreg.gather [hbm4b:s5+s2], $0x80, v4, vm0, $0xb8;
	[tilespmem:$0x10080] =	vst v63  }
0x7f: {  	v3 =	vadd.s32 v1, v3  }
0x80: {  	[tilespmem:s23], [sflag:$0x1] =	stream.indirect_vreg.gather [hbm4b:s6+s2], $0x80, v4, vm0, $0xb8;
	[tilespmem:$0x10080] =	vst v63  }
0x81: {  	_ = 	snop  }
0x82: {  	[tilespmem:s24], [sflag:$0x1] =	stream.indirect_vreg.gather [hbm4b:s7+s2], $0x80, v4, vm0, $0xb8;
	[tilespmem:$0x10080] =	vst v63  }
0x83: {  	_ = 	snop  }
0x84: {  	[tilespmem:s25], [sflag:$0x1] =	stream.indirect_vreg.gather [hbm4b:s3+s2], $0x80, v3, vm0, $0xb8;
	[tilespmem:$0x10080] =	vst v63  }
0x85: {  	_ = 	snop  }
0x86: {  	[tilespmem:s28], [sflag:$0x1] =	stream.indirect_vreg.gather [hbm4b:s5+s2], $0x80, v3, vm0, $0xb8;
	[tilespmem:$0x10080] =	vst v63  }
0x87: {  	_ = 	snop  }
0x88: {  	[tilespmem:s29], [sflag:$0x1] =	stream.indirect_vreg.gather [hbm4b:s6+s2], $0x80, v3, vm0, $0xb8;
	[tilespmem:$0x10080] =	vst v63  }
0x89: {  	_ = 	snop  }
0x8a: {  	[tilespmem:s30], [sflag:$0x1] =	stream.indirect_vreg.gather [hbm4b:s7+s2], $0x80, v3, vm0, $0xb8;
	[tilespmem:$0x10080] =	vst v63  }
0x8b: {  	v3 =	vld [tilespmem:$0x50];
	_ =	sdelay $0x4  }
0x8c: {  	v61 =	vshll.u32 v3, $0x3  }
0x8d: {  	v3 =	vand.u32 $0x7, v3;
	v4 =	vand.u32 $0xFFFFFFC0, v61  }
0x8e: {  	v3 =	vor.u32 v3, v4  }
0x8f: {  	v4 =	vperm.xlane v3, v0;
	_ =	sdelay $0x1  }
0x90: {  	v4 =	vadd.s32 v1, v4;
	_ =	sdelay $0x4  }
0x91: {  	[tilespmem:s31], [sflag:$0x1] =	stream.indirect_vreg.gather [hbm4b:s3+s2], $0x80, v4, vm0, $0xb8;
	[tilespmem:$0x10080] =	vst v63  }
0x92: {  	v3 =	vperm.xlane v3, v2  }
0x93: {  	[tilespmem:s0], [sflag:$0x1] =	stream.indirect_vreg.gather [hbm4b:s5+s2], $0x80, v4, vm0, $0xb8;
	[tilespmem:$0x10080] =	vst v63  }
0x94: {  	v3 =	vadd.s32 v1, v3  }
0x95: {  	[tilespmem:s1], [sflag:$0x1] =	stream.indirect_vreg.gather [hbm4b:s6+s2], $0x80, v4, vm0, $0xb8;
	[tilespmem:$0x10080] =	vst v63  }
0x96: {  	_ = 	snop  }
0x97: {  	[tilespmem:s11], [sflag:$0x1] =	stream.indirect_vreg.gather [hbm4b:s7+s2], $0x80, v4, vm0, $0xb8;
	[tilespmem:$0x10080] =	vst v63  }
0x98: {  	_ = 	snop  }
0x99: {  	[tilespmem:s12], [sflag:$0x1] =	stream.indirect_vreg.gather [hbm4b:s3+s2], $0x80, v3, vm0, $0xb8;
	[tilespmem:$0x10080] =	vst v63  }
0x9a: {  	_ = 	snop  }
0x9b: {  	[tilespmem:s13], [sflag:$0x1] =	stream.indirect_vreg.gather [hbm4b:s5+s2], $0x80, v3, vm0, $0xb8;
	[tilespmem:$0x10080] =	vst v63  }
0x9c: {  	_ = 	snop  }
0x9d: {  	[tilespmem:s14], [sflag:$0x1] =	stream.indirect_vreg.gather [hbm4b:s6+s2], $0x80, v3, vm0, $0xb8;
	[tilespmem:$0x10080] =	vst v63  }
0x9e: {  	_ = 	snop  }
0x9f: {  	[tilespmem:s15], [sflag:$0x1] =	stream.indirect_vreg.gather [hbm4b:s7+s2], $0x80, v3, vm0, $0xb8;
	[tilespmem:$0x10080] =	vst v63  }
0xa0: {  	_ =	swait.ge [sflag:s20], $0x8000  }
0xa1: {  	[sflag:s20] =	ssyncset.done $0x0  }
0xa2: {  	s0 =	rddreg [dreg:$0x5];
	[sflag:s20] =	ssyncadd.s32 $0xFFFF8000  }
0xa3: {  	[hbm4b:s0+s2] =	stream.linear.scatter [tilespmem:s4], [sflag:$0x3], $0x8000, $0x38;
	[tilespmem:$0x10080] =	vst v63  }
0xa4: {  	_ =	swait.ge [sflag:s9], $0x8000  }
0xa5: {  	[sflag:s9] =	ssyncset.done $0x0  }
0xa6: {  	[sflag:s9] =	ssyncadd.s32 $0xFFFF8000  }
0xa7: {  	v3 =	vld [tilespmem:$0x60];
	_ =	sdelay $0x4  }
0xa8: {  	v62 =	vshll.u32 v3, $0x3  }
0xa9: {  	v3 =	vand.u32 $0x7, v3;
	v4 =	vand.u32 $0xFFFFFFC0, v62  }
0xaa: {  	v3 =	vor.u32 v3, v4  }
0xab: {  	v4 =	vperm.xlane v3, v0;
	_ =	sdelay $0x1  }
0xac: {  	v4 =	vadd.s32 v1, v4;
	_ =	sdelay $0x4  }
0xad: {  	[tilespmem:s4], [sflag:$0x2] =	stream.indirect_vreg.gather [hbm4b:s3+s2], $0x80, v4, vm0, $0xb8;
	[tilespmem:$0x10080] =	vst v63  }
0xae: {  	v3 =	vperm.xlane v3, v2  }
0xaf: {  	[tilespmem:s16], [sflag:$0x2] =	stream.indirect_vreg.gather [hbm4b:s5+s2], $0x80, v4, vm0, $0xb8;
	[tilespmem:$0x10080] =	vst v63  }
0xb0: {  	v3 =	vadd.s32 v1, v3  }
0xb1: {  	[tilespmem:s17], [sflag:$0x2] =	stream.indirect_vreg.gather [hbm4b:s6+s2], $0x80, v4, vm0, $0xb8;
	[tilespmem:$0x10080] =	vst v63  }
0xb2: {  	_ = 	snop  }
0xb3: {  	[tilespmem:s18], [sflag:$0x2] =	stream.indirect_vreg.gather [hbm4b:s7+s2], $0x80, v4, vm0, $0xb8;
	[tilespmem:$0x10080] =	vst v63  }
0xb4: {  	_ = 	snop  }
0xb5: {  	[tilespmem:s19], [sflag:$0x2] =	stream.indirect_vreg.gather [hbm4b:s3+s2], $0x80, v3, vm0, $0xb8;
	[tilespmem:$0x10080] =	vst v63  }
0xb6: {  	s21 =	simm.s32 $0xA880  }
0xb7: {  	[tilespmem:s21], [sflag:$0x2] =	stream.indirect_vreg.gather [hbm4b:s5+s2], $0x80, v3, vm0, $0xb8;
	[tilespmem:$0x10080] =	vst v63  }
0xb8: {  	s21 =	simm.s32 $0xB080  }
0xb9: {  	[tilespmem:s21], [sflag:$0x2] =	stream.indirect_vreg.gather [hbm4b:s6+s2], $0x80, v3, vm0, $0xb8;
	[tilespmem:$0x10080] =	vst v63  }
0xba: {  	s21 =	simm.s32 $0xB880  }
0xbb: {  	[tilespmem:s21], [sflag:$0x2] =	stream.indirect_vreg.gather [hbm4b:s7+s2], $0x80, v3, vm0, $0xb8;
	[tilespmem:$0x10080] =	vst v63  }
0xbc: {  	v3 =	vld [tilespmem:$0x70];
	_ =	sdelay $0x4  }
0xbd: {  	v63 =	vshll.u32 v3, $0x3  }
0xbe: {  	v3 =	vand.u32 $0x7, v3;
	v4 =	vand.u32 $0xFFFFFFC0, v63  }
0xbf: {  	v3 =	vor.u32 v3, v4  }
0xc0: {  	v4 =	vperm.xlane v3, v0;
	_ =	sdelay $0x1  }
0xc1: {  	v4 =	vadd.s32 v1, v4;
	_ =	sdelay $0x3  }
0xc2: {  	s21 =	simm.s32 $0xC080  }
0xc3: {  	[tilespmem:s21], [sflag:$0x2] =	stream.indirect_vreg.gather [hbm4b:s3+s2], $0x80, v4, vm0, $0xb8;
	[tilespmem:$0x10080] =	vst v63  }
0xc4: {  	v3 =	vperm.xlane v3, v2;
	s21 =	simm.s32 $0xC880  }
0xc5: {  	[tilespmem:s21], [sflag:$0x2] =	stream.indirect_vreg.gather [hbm4b:s5+s2], $0x80, v4, vm0, $0xb8;
	[tilespmem:$0x10080] =	vst v63  }
0xc6: {  	v3 =	vadd.s32 v1, v3;
	s21 =	simm.s32 $0xD080  }
0xc7: {  	[tilespmem:s21], [sflag:$0x2] =	stream.indirect_vreg.gather [hbm4b:s6+s2], $0x80, v4, vm0, $0xb8;
	[tilespmem:$0x10080] =	vst v63  }
0xc8: {  	s21 =	simm.s32 $0xD880  }
0xc9: {  	[tilespmem:s21], [sflag:$0x2] =	stream.indirect_vreg.gather [hbm4b:s7+s2], $0x80, v4, vm0, $0xb8;
	[tilespmem:$0x10080] =	vst v63  }
0xca: {  	s21 =	simm.s32 $0xE080  }
0xcb: {  	[tilespmem:s21], [sflag:$0x2] =	stream.indirect_vreg.gather [hbm4b:s3+s2], $0x80, v3, vm0, $0xb8;
	[tilespmem:$0x10080] =	vst v63  }
0xcc: {  	s21 =	simm.s32 $0xE880  }
0xcd: {  	[tilespmem:s21], [sflag:$0x2] =	stream.indirect_vreg.gather [hbm4b:s5+s2], $0x80, v3, vm0, $0xb8;
	[tilespmem:$0x10080] =	vst v63  }
0xce: {  	s21 =	simm.s32 $0xF080  }
0xcf: {  	[tilespmem:s21], [sflag:$0x2] =	stream.indirect_vreg.gather [hbm4b:s6+s2], $0x80, v3, vm0, $0xb8;
	[tilespmem:$0x10080] =	vst v63  }
0xd0: {  	s21 =	simm.s32 $0xF880  }
0xd1: {  	[tilespmem:s21], [sflag:$0x2] =	stream.indirect_vreg.gather [hbm4b:s7+s2], $0x80, v3, vm0, $0xb8;
	[tilespmem:$0x10080] =	vst v63  }
0xd2: {  	_ =	swait.ge [sflag:s10], $0x8000  }
0xd3: {  	[sflag:s10] =	ssyncset.done $0x0  }
0xd4: {  	s0 =	rddreg [dreg:$0x6];
	[sflag:s10] =	ssyncadd.s32 $0xFFFF8000  }
0xd5: {  	[hbm4b:s0+s2] =	stream.linear.scatter [tilespmem:s26], [sflag:$0x3], $0x8000, $0x38;
	[tilespmem:$0x10080] =	vst v63  }
0xd6: {  	_ =	swait.ge [sflag:s9], $0x8000  }
0xd7: {  	[sflag:s9] =	ssyncset.done $0x0  }
0xd8: {  	[sflag:s9] =	ssyncadd.s32 $0xFFFF8000  }
0xd9: {  	_ =	swait.ge [sflag:s20], $0x8000  }
0xda: {  	p0 =	sne.s32 s8, $0x1;
	[sflag:s20] =	ssyncset.done $0x0  }
.Ltmp0:
0xdb: {  	s0 =	rddreg [dreg:$0x7];
	[sflag:s20] =	ssyncadd.s32 $0xFFFF8000;
	(pc) =	sbr.rel @p0 .LBB2_1-.Ltmp0, $4  }
0xdc: {  	[hbm4b:s0+s2] =	stream.linear.scatter [tilespmem:s4], [sflag:$0x3], $0x8000, $0x38;
	[tilespmem:$0x10080] =	vst v63  }
0xdd: {  	_ =	swait.ge [sflag:s9], $0x8000  }
0xde: {  	[sflag:s9] =	ssyncset.done $0x0  }
0xdf: {  	s8 =	sadd.s32 $0xFFFFFFFF, s8;
	[sflag:s9] =	ssyncadd.s32 $0xFFFF8000  }
0xe0: {  	_ =	sfence.sel $0x180000  }
0xe1: {  	[bflag:$0x0] =	sbarrier.arrive $0xFFFF  }
0xe2: {  	_ =	strace $0x9000004D  }
0xe3: {  	s0 =	stileid.u32;
	[bflag:$0x2] =	sbarrier.arrive $0xFFFF  }
0xe4: {  	p0 =	sne.s32 s0, $0x0;
	s0 =	rddreg [dreg:$0x3]  }
0xe5: {  	s0 =	sadd.s32 @!p0 $0x100000, s0  }
0xe6: {  	[sflag:s0] =	ssyncadd.tile.s32 @!p0 $0x1;
	_ =	shalt  }
.Lfunc_end2:
_tile_overlayer_lowered:
.L_overlay_start_2:
0xe7: {  	(tag) =	ssettag $0x2  }
0xe8: {  	s0 =	rddreg [dreg:$0x0];
	s2 =	stileid.u32  }
0xe9: {  	s1 =	rddreg [dreg:$0x1];
	p0 =	sne.s32 s2, $0x0  }
0xea: {  	s3 =	rddreg [dreg:$0x2];
	[bflag:$0x3] =	sbarrier.arrive $0xFFFF;
	s2 =	simm.s32 @!p0 $0x1C03  }
0xeb: {  	[timem:s3], [sflag:s2] =	dma.local @!p0 [hbm:s0], s1  }
0xec: {  	s0 =	simm.s32 @!p0 $0x3  }
0xed: {  	_ =	swait.ge @!p0 [sflag:s0], s1  }
0xee: {  	s1 =	ssub.s32 @!p0 $0x0, s1;
	[sflag:s0] =	ssyncset.done @!p0 $0x0  }
0xef: {  	[sflag:s0] =	ssyncadd.s32 @!p0 s1  }
0xf0: {  	[bflag:$0x3] =	sbarrier.arrive $0xFFFF  }
0xf1: {  	_ =	shalt  }

</sc_bundles>
